<compile_context>
chip_gen: v7x
topology: tpu7x:2x2x1
jax: 0.10.2.dev20260603
libtpu: 0.0.44.dev20260713+nightly
codegen_flags: <defaults>
</compile_context>

<pallas_src>
import functools

import numpy as np
import jax
import jax.numpy as jnp
from jax import lax
from jax.experimental import pallas as pl
from jax.experimental.pallas import tpu as pltpu
from jax.experimental.pallas import tpu_sc as plsc

_N = 2000000
_NS = 131072
_R = 15625
_RP = 15744

_cpu = jax.devices("cpu")[0]
with jax.default_device(_cpu):
    _sk = jax.random.key(7)
    _US = np.asarray(jax.random.uniform(_sk, (_NS,), dtype=jnp.float32))
    _OFFS = np.asarray(jax.random.normal(jax.random.fold_in(_sk, 1), (_NS, 3), dtype=jnp.float32))


def _scan_rows_body(x_ref, out_ref):
    def body(j, acc):
        acc = acc + x_ref[pl.ds(j, 1), :]
        out_ref[pl.ds(j, 1), :] = acc
        return acc

    lax.fori_loop(0, x_ref.shape[0], body, jnp.zeros((1, x_ref.shape[1]), jnp.float32))


def _shift1(y):
    return jnp.concatenate([jnp.zeros((1, 1), jnp.float32), y[:, :-1]], axis=1)


def _l2_body(x_ref, s2_ref, off2_ref):
    def body(j, acc):
        acc = acc + x_ref[pl.ds(j, 1), :]
        s2_ref[pl.ds(j, 1), :] = acc
        return acc

    rt2 = lax.fori_loop(0, 128, body, jnp.zeros((1, 128), jnp.float32))
    y = _shift1(rt2)
    lane = lax.broadcasted_iota(jnp.int32, (1, 128), 1)

    def sbody(l, y):
        return y + jnp.where(lane == l, _shift1(y), 0.0)

    off2 = lax.fori_loop(1, 128, sbody, y)
    off2_ref[...] = off2


def _combine_body(c1_ref, off_ref, out_ref):
    def body(j, _):
        out_ref[pl.ds(j, 1), :] = c1_ref[pl.ds(j, 1), :] + off_ref[...]
        return 0

    lax.fori_loop(0, 128, body, 0)


def _locate_body(tot_ref, us_ref, sup_ref, mid_ref, g_ref, u_ref):
    t = tot_ref[0, 0] + 1e-12
    u = us_ref[...] * t
    s = jnp.sum((sup_ref[...] < u).astype(jnp.int32), axis=1, keepdims=True)
    s = jnp.minimum(s, 122)
    iota = lax.broadcasted_iota(jnp.int32, (1024, 128), 1)
    oh = (iota == s).astype(jnp.float32)
    midrows = jnp.dot(oh, mid_ref[...], preferred_element_type=jnp.float32,
                      precision=lax.Precision.HIGHEST)
    f = jnp.sum((midrows < u).astype(jnp.int32), axis=1, keepdims=True)
    g_ref[...] = jnp.minimum(s * 128 + f, _R - 1)
    u_ref[...] = u


def _affine_body(b_ref, o_ref, s_ref, out_ref):
    out_ref[...] = b_ref[...] + o_ref[...] * s_ref[...]


def _tr_body(x_ref, out_ref):
    out_ref[...] = x_ref[...].T


def _transpose_fwd(x):
    return pl.pallas_call(
        _tr_body,
        out_shape=jax.ShapeDtypeStruct((128, _RP), jnp.float32),
        grid=(123,),
        in_specs=[pl.BlockSpec((128, 128), lambda i: (i, 0))],
        out_specs=pl.BlockSpec((128, 128), lambda i: (0, i)),
    )(x)


def _transpose_bwd(x):
    return pl.pallas_call(
        _tr_body,
        out_shape=jax.ShapeDtypeStruct((_RP, 128), jnp.float32),
        grid=(123,),
        in_specs=[pl.BlockSpec((128, 128), lambda i: (0, i))],
        out_specs=pl.BlockSpec((128, 128), lambda i: (i, 0)),
    )(x)


def _make_sc_gather(tbl_shape, tbl_dtype, n_idx, row_buf):
    info = plsc.get_sparse_core_info()
    nw = info.num_cores * info.num_subcores
    per_w = n_idx // nw
    n_chunks = per_w // row_buf
    mesh = plsc.VectorSubcoreMesh(core_axis_name="c", subcore_axis_name="s")

    @functools.partial(
        pl.kernel,
        mesh=mesh,
        out_type=jax.ShapeDtypeStruct((n_idx, tbl_shape[1]), tbl_dtype),
        scratch_types=[
            pltpu.VMEM((row_buf,), jnp.int32),
            pltpu.VMEM((row_buf, tbl_shape[1]), tbl_dtype),
            pltpu.SemaphoreType.DMA,
        ],
    )
    def sc_gather(tbl_hbm, idx_hbm, out_hbm, idx_v, rows_v, sem):
        wid = lax.axis_index("s") * info.num_cores + lax.axis_index("c")

        def chunk(ci, _):
            base = wid * per_w + ci * row_buf
            pltpu.sync_copy(idx_hbm.at[pl.ds(base, row_buf)], idx_v)
            pltpu.async_copy(tbl_hbm.at[idx_v], rows_v, sem).wait()
            pltpu.sync_copy(rows_v, out_hbm.at[pl.ds(base, row_buf)])
            return 0

        lax.fori_loop(0, n_chunks, chunk, 0)

    return sc_gather


_sc_gather_cdf = _make_sc_gather((_RP, 128), jnp.float32, _NS, 128)


def _count_body(rows_ref, u_ref, g_ref, row_ref, lane_ref):
    cnt = jnp.sum((rows_ref[...] < u_ref[...]).astype(jnp.int32), axis=1, keepdims=True)
    idx = jnp.minimum(g_ref[...] * 128 + cnt, _N - 1)
    row_ref[...] = idx // 32
    lane_ref[...] = (idx % 32) * 4


def kernel(centers, levels, weights, w2c, n_samples):
    f32 = jnp.float32
    cam = centers @ w2c[:3, :3].T + w2c[:3, 3]
    z = cam[:, 2]
    zs = jnp.where(jnp.abs(z) > 1e-8, z, 1e-8)
    uu = 1000.0 * cam[:, 0] / zs + 960.0
    vv = 1000.0 * cam[:, 1] / zs + 540.0
    visible = ((z > 0.01) & (z < 100.0) & (uu >= 0.0) & (uu < 1920.0)
               & (vv >= 0.0) & (vv < 1080.0))
    p = jnp.where(visible, jnp.maximum(weights, 0.0), 0.0)

    pT = _transpose_fwd(jnp.pad(p, (0, _RP * 128 - _N)).reshape(_RP, 128))

    c1T = pl.pallas_call(
        _scan_rows_body,
        out_shape=jax.ShapeDtypeStruct((128, _RP), f32),
    )(pT)

    rt = c1T[127]
    l2T = rt.reshape(123, 128).T
    l2Tp = jnp.pad(l2T, ((0, 0), (0, 5)))
    s2T, off2 = pl.pallas_call(
        _l2_body,
        out_shape=[
            jax.ShapeDtypeStruct((128, 128), f32),
            jax.ShapeDtypeStruct((1, 128), f32),
        ],
    )(l2Tp)
    s2full = (s2T + off2).T[:123].reshape(_RP)
    off = jnp.concatenate([jnp.zeros((1,), f32), s2full[: _RP - 1]])

    cdfT = pl.pallas_call(
        _combine_body,
        out_shape=jax.ShapeDtypeStruct((128, _RP), f32),
    )(c1T, off.reshape(1, _RP))

    rowend = cdfT[127]
    midtab = rowend.reshape(123, 128)
    midtabp = jnp.pad(midtab, ((0, 5), (0, 0)))
    suptab = jnp.pad(midtab[:, 127:128], ((0, 5), (0, 0)),
                     constant_values=3.0e38).reshape(1, 128)
    tot = cdfT[127:128, _R - 1:_R]

    us2 = jnp.asarray(_US).reshape(_NS, 1)
    g2, u2 = pl.pallas_call(
        _locate_body,
        out_shape=[
            jax.ShapeDtypeStruct((_NS, 1), jnp.int32),
            jax.ShapeDtypeStruct((_NS, 1), f32),
        ],
        grid=(128,),
        in_specs=[
            pl.BlockSpec(memory_space=pltpu.SMEM),
            pl.BlockSpec((1024, 1), lambda i: (i, 0)),
            pl.BlockSpec((1, 128), lambda i: (0, 0)),
            pl.BlockSpec((128, 128), lambda i: (0, 0)),
        ],
        out_specs=[
            pl.BlockSpec((1024, 1), lambda i: (i, 0)),
            pl.BlockSpec((1024, 1), lambda i: (i, 0)),
        ],
    )(tot, us2, suptab, midtabp)

    g = g2[:, 0]
    cdf2d = _transpose_bwd(cdfT)
    rows = _sc_gather_cdf(cdf2d, g)
    rowq, lane4 = pl.pallas_call(
        _count_body,
        out_shape=[
            jax.ShapeDtypeStruct((_NS, 1), jnp.int32),
            jax.ShapeDtypeStruct((_NS, 1), jnp.int32),
        ],
        grid=(128,),
        in_specs=[
            pl.BlockSpec((1024, 128), lambda i: (i, 0)),
            pl.BlockSpec((1024, 1), lambda i: (i, 0)),
            pl.BlockSpec((1024, 1), lambda i: (i, 0)),
        ],
        out_specs=[
            pl.BlockSpec((1024, 1), lambda i: (i, 0)),
            pl.BlockSpec((1024, 1), lambda i: (i, 0)),
        ],
    )(rows, u2, g2)
    idx = jnp.minimum(rowq[:, 0] * 32 + lane4[:, 0] // 4, _N - 1)
    base = jnp.take(centers, idx, axis=0)
    lvl = jnp.take(levels, idx).astype(f32)
    scale = 0.01 * jnp.exp2(-lvl)
    scale3 = jnp.broadcast_to(scale[:, None], (_NS, 3))
    samples = pl.pallas_call(
        _affine_body,
        out_shape=jax.ShapeDtypeStruct((_NS, 3), f32),
        grid=(32,),
        in_specs=[pl.BlockSpec((4096, 3), lambda i: (i, 0))] * 3,
        out_specs=pl.BlockSpec((4096, 3), lambda i: (i, 0)),
    )(base, jnp.asarray(_OFFS), scale3)
    return samples

# --- scband reference (transcript-rebuilt; emitter-appended) ---
"""Pipeline reference for scband-probability-field-sampler-43173011259977 (READ-ONLY COPY).

The authoritative reference and input builder live on the scoring server;
editing this copy changes nothing except your own understanding.
"""

import jax, jax.numpy as jnp
import numpy as np

N = 2000000
NS = 131072

# Hardcoded PerspectiveCamera params (View is a non-tensor arg in the original API):
# width=1920, height=1080, fx=fy=1000, cx=960, cy=540, near=0.01, far=100, initial_size=0.01

def setup_inputs(seed: int = 0):
    key = jax.random.key(seed)
    k1, k2, k3, k4 = jax.random.split(key, 4)
    centers = jax.random.normal(k1, (N, 3), dtype=jnp.float32)
    levels = jax.random.randint(k2, (N,), 0, 16).astype(jnp.int32)
    weights = jax.random.uniform(k3, (N,), dtype=jnp.float32)
    w2c = jax.random.normal(k4, (4, 4), dtype=jnp.float32)
    return {"centers": centers, "levels": levels, "weights": weights, "w2c": w2c, "n_samples": NS}


def reference(centers, levels, weights, w2c, n_samples):
    W, H = 1920.0, 1080.0
    fx, fy, cx, cy = 1000.0, 1000.0, 960.0, 540.0
    near, far = 0.01, 100.0
    initial_size = 0.01
    # transform field centers into camera frame
    cam = centers @ w2c[:3, :3].T + w2c[:3, 3]
    z = cam[:, 2]
    zs = jnp.where(jnp.abs(z) > 1e-8, z, 1e-8)
    u = fx * cam[:, 0] / zs + cx
    v = fy * cam[:, 1] / zs + cy
    visible = (z > near) & (z < far) & (u >= 0.0) & (u < W) & (v >= 0.0) & (v < H)
    # unnormalized sampling probability field
    p = jnp.where(visible, jnp.maximum(weights, 0.0), 0.0)
    cdf = jnp.cumsum(p)
    total = cdf[-1] + 1e-12
    # inverse-CDF categorical sampling of n_samples field points
    skey = jax.random.key(7)
    us = jax.random.uniform(skey, (NS,), dtype=jnp.float32) * total
    idx = jnp.searchsorted(cdf, us)
    idx = idx + 0 * jnp.asarray(n_samples, dtype=idx.dtype)
    idx = jnp.clip(idx, 0, centers.shape[0] - 1)
    base = jnp.take(centers, idx, axis=0)
    lvl = jnp.take(levels, idx).astype(jnp.float32)
    scale = initial_size * jnp.exp2(-lvl)
    offs = jax.random.normal(jax.random.fold_in(skey, 1), (NS, 3), dtype=jnp.float32)
    samples = base + offs * scale[:, None]
    return samples

if __name__ == "__main__":
    import jax
    _d = setup_inputs()
    print(jax.jit(kernel)(*tuple(_d.values())))

</pallas_src>

<mosaic_0001>
#map = affine_map<(d0, d1) -> (0, 0)>
#map1 = affine_map<(d0, d1) -> (0)>
module attributes {stable_mosaic.version = 14 : i64} {
  func.func @sc_gather(%arg0: i32, %arg1: i32, %arg2: memref<15744x128xf32, #tpu.memory_space<hbm>>, %arg3: memref<131072xi32, #tpu.memory_space<hbm>>, %arg4: memref<131072x128xf32, #tpu.memory_space<hbm>>, %arg5: memref<128xi32, #tpu.memory_space<vmem>>, %arg6: memref<128x128xf32, #tpu.memory_space<vmem>>, %arg7: memref<!tpu.dma_semaphore, #tpu.memory_space<semaphore_mem>>) attributes {dimension_semantics = [#tpu.dimension_semantics<core_parallel>, #tpu.dimension_semantics<subcore_parallel>], iteration_bounds = array<i64: 2, 16>, scalar_prefetch = 0 : i64, scratch_operands = 3 : i64, tpu.core_type = #tpu.core_type<sc_vector_subcore>, window_params = [{transform_indices = #map}, {transform_indices = #map1}, {transform_indices = #map}]} {
    %mul3A = arith.constant 2 : i32
    %mul3A_0 = arith.muli %arg1, %mul3A : i32
    %add3A = arith.addi %mul3A_0, %arg0 : i32
    %scan3A = arith.constant 0 : i32
    %scan3A_1 = arith.constant 0 : i32
    %scan3A_2 = arith.constant 32 : i32
    %scan3A_3 = arith.addi %scan3A_1, %scan3A_2 : i32
    %scan3A_4 = arith.constant 1 : i32
    %scan3A_5 = scf.for %scan3A_7 = %scan3A_1 to %scan3A_3 step %scan3A_4 iter_args(%scan3A_8 = %scan3A) -> (i32)  : i32 {
      %mul3A_9 = arith.constant 4096 : i32
      %mul3A_10 = arith.muli %add3A, %mul3A_9 : i32
      %mul3A_11 = arith.constant 128 : i32
      %mul3A_12 = arith.muli %scan3A_7, %mul3A_11 : i32
      %add3A_13 = arith.addi %mul3A_10, %mul3A_12 : i32
      "tpu.region"() ({
        %run_scoped3A = tpu.sem_alloc : memref<!tpu.dma_semaphore, #tpu.memory_space<semaphore_mem>>
        %dma_start3A_19 = tpu.memref_slice %arg3[%add3A_13] : memref<131072xi32, #tpu.memory_space<hbm>> -> memref<128xi32, #tpu.memory_space<hbm>>
        %dma_start3A_20 = tpu.memref_slice %arg3[%add3A_13] : memref<131072xi32, #tpu.memory_space<hbm>> -> memref<128xi32, #tpu.memory_space<hbm>>
        tpu.enqueue_dma source(%dma_start3A_20 : memref<128xi32, #tpu.memory_space<hbm>>) target(%arg5 : memref<128xi32, #tpu.memory_space<vmem>>) target_semaphore(%run_scoped3A : memref<!tpu.dma_semaphore, #tpu.memory_space<semaphore_mem>>)
        %dma_wait3A_21 = tpu.memref_slice %arg3[%add3A_13] : memref<131072xi32, #tpu.memory_space<hbm>> -> memref<128xi32, #tpu.memory_space<hbm>>
        %dma_wait3A_22 = tpu.memref_slice %arg3[%add3A_13] : memref<131072xi32, #tpu.memory_space<hbm>> -> memref<128xi32, #tpu.memory_space<hbm>>
        tpu.wait_dma2 semaphore(%run_scoped3A : memref<!tpu.dma_semaphore, #tpu.memory_space<semaphore_mem>>) src(%dma_wait3A_22 : memref<128xi32, #tpu.memory_space<hbm>>) dst(%arg5 : memref<128xi32, #tpu.memory_space<vmem>>)
        tpu.yield
      }) : () -> ()
      %dma_start3A = arith.constant 0 : i32
      %dma_start3A_14 = arith.constant 0 : i32
      %dma_start3A_15 = tpu.memref_slice %arg2[%dma_start3A, %dma_start3A_14] : memref<15744x128xf32, #tpu.memory_space<hbm>> -> memref<15744x128xf32, #tpu.memory_space<hbm>>
      tpu.enqueue_indirect_dma source(%dma_start3A_15 : memref<15744x128xf32, #tpu.memory_space<hbm>>) target(%arg6 : memref<128x128xf32, #tpu.memory_space<vmem>>) offsets(%arg5 : memref<128xi32, #tpu.memory_space<vmem>>) semaphore(%arg7 : memref<!tpu.dma_semaphore, #tpu.memory_space<semaphore_mem>>)
      %dma_wait3A = arith.constant 0 : i32
      %dma_wait3A_16 = arith.constant 0 : i32
      %dma_wait3A_17 = tpu.memref_slice %arg2[%dma_wait3A, %dma_wait3A_16] : memref<15744x128xf32, #tpu.memory_space<hbm>> -> memref<15744x128xf32, #tpu.memory_space<hbm>>
      tpu.wait_indirect_dma semaphore(%arg7 : memref<!tpu.dma_semaphore, #tpu.memory_space<semaphore_mem>>) src(%dma_wait3A_17 : memref<15744x128xf32, #tpu.memory_space<hbm>>) dst(%arg6 : memref<128x128xf32, #tpu.memory_space<vmem>>)
      "tpu.region"() ({
        %run_scoped3A = tpu.sem_alloc : memref<!tpu.dma_semaphore, #tpu.memory_space<semaphore_mem>>
        %dma_start3A_19 = arith.constant 0 : i32
        %dma_start3A_20 = tpu.memref_slice %arg4[%add3A_13, %dma_start3A_19] : memref<131072x128xf32, #tpu.memory_space<hbm>> -> memref<128x128xf32, #tpu.memory_space<hbm>>
        %dma_start3A_21 = arith.constant 0 : i32
        %dma_start3A_22 = tpu.memref_slice %arg4[%add3A_13, %dma_start3A_21] : memref<131072x128xf32, #tpu.memory_space<hbm>> -> memref<128x128xf32, #tpu.memory_space<hbm>>
        tpu.enqueue_dma source(%arg6 : memref<128x128xf32, #tpu.memory_space<vmem>>) target(%dma_start3A_22 : memref<128x128xf32, #tpu.memory_space<hbm>>) target_semaphore(%run_scoped3A : memref<!tpu.dma_semaphore, #tpu.memory_space<semaphore_mem>>)
        %dma_wait3A_23 = arith.constant 0 : i32
        %dma_wait3A_24 = tpu.memref_slice %arg4[%add3A_13, %dma_wait3A_23] : memref<131072x128xf32, #tpu.memory_space<hbm>> -> memref<128x128xf32, #tpu.memory_space<hbm>>
        %dma_wait3A_25 = arith.constant 0 : i32
        %dma_wait3A_26 = tpu.memref_slice %arg4[%add3A_13, %dma_wait3A_25] : memref<131072x128xf32, #tpu.memory_space<hbm>> -> memref<128x128xf32, #tpu.memory_space<hbm>>
        tpu.wait_dma2 semaphore(%run_scoped3A : memref<!tpu.dma_semaphore, #tpu.memory_space<semaphore_mem>>) src(%arg6 : memref<128x128xf32, #tpu.memory_space<vmem>>) dst(%dma_wait3A_26 : memref<128x128xf32, #tpu.memory_space<hbm>>)
        tpu.yield
      }) : () -> ()
      %scan3A_18 = arith.constant 0 : i32
      scf.yield %scan3A_18 : i32
    }
    %scan3A_6 = arith.constant 32 : i32
    return
  }
}

module attributes {stable_mosaic.version = 14 : i64} {
  func.func @_tr_body(%arg0: i32, %arg1: memref<128x128xf32, #tpu.memory_space<vmem>>, %arg2: memref<128x128xf32, #tpu.memory_space<vmem>>) attributes {dimension_semantics = [#tpu.dimension_semantics<arbitrary>], iteration_bounds = array<i64: 123>, scalar_prefetch = 0 : i64, scratch_operands = 0 : i64, tpu.core_type = #tpu.core_type<tc>, window_params = [{transform_indices = @transform_0, window_bounds = array<i64: 128, 128>}, {transform_indices = @transform_1, window_bounds = array<i64: 128, 128>}]} {
    %get3A = arith.constant 0 : index
    %get3A_0 = arith.constant 0 : index
    %get3A_1 = vector.load %arg1[%get3A, %get3A_0] : memref<128x128xf32, #tpu.memory_space<vmem>>, vector<128x128xf32>
    %transpose3A = tpu.transpose %get3A_1, [1, 0] : vector<128x128xf32> -> vector<128x128xf32>
    %swap3A = arith.constant 0 : index
    %swap3A_2 = arith.constant 0 : index
    %swap3A_3 = vector.load %arg2[%swap3A, %swap3A_2] : memref<128x128xf32, #tpu.memory_space<vmem>>, vector<128x128xf32>
    tpu.vector_store %arg2[%swap3A, %swap3A_2], %transpose3A {strides = array<i32>} : memref<128x128xf32, #tpu.memory_space<vmem>>, vector<128x128xf32>,
    return
  }
  func.func @transform_0(%arg0: i32) -> (i32, i32) {
    %c0_i32 = arith.constant 0 : i32
    %c0_i32_0 = arith.constant 0 : i32
    return %arg0, %c0_i32 : i32, i32
  }
  func.func @transform_1(%arg0: i32) -> (i32, i32) {
    %c0_i32 = arith.constant 0 : i32
    %c0_i32_0 = arith.constant 0 : i32
    return %c0_i32, %arg0 : i32, i32
  }
}

module attributes {stable_mosaic.version = 14 : i64} {
  func.func @_scan_rows_body(%arg0: memref<128x15744xf32, #tpu.memory_space<vmem>>, %arg1: memref<128x15744xf32, #tpu.memory_space<vmem>>) attributes {dimension_semantics = [], scalar_prefetch = 0 : i64, scratch_operands = 0 : i64, tpu.core_type = #tpu.core_type<tc>} {
    %broadcast_in_dim3A = arith.constant 0.000000e+00 : f32
    %broadcast_in_dim3A_0 = vector.broadcast %broadcast_in_dim3A : f32 to vector<1x15744xf32>
    %scan3A = arith.constant 0 : i32
    %scan3A_1 = arith.constant 128 : i32
    %scan3A_2 = arith.addi %scan3A, %scan3A_1 : i32
    %scan3A_3 = arith.constant 1 : i32
    %scan3A_4 = scf.for %scan3A_6 = %scan3A to %scan3A_2 step %scan3A_3 iter_args(%scan3A_7 = %broadcast_in_dim3A_0) -> (vector<1x15744xf32>)  : i32 {
      %get3A = arith.index_cast %scan3A_6 : i32 to index
      %get3A_8 = arith.constant 0 : index
      %get3A_9 = vector.load %arg0[%get3A, %get3A_8] : memref<128x15744xf32, #tpu.memory_space<vmem>>, vector<1x15744xf32>
      %add3A = arith.addf %scan3A_7, %get3A_9 : vector<1x15744xf32>
      %swap3A = arith.index_cast %scan3A_6 : i32 to index
      %swap3A_10 = arith.constant 0 : index
      %swap3A_11 = vector.load %arg1[%swap3A, %swap3A_10] : memref<128x15744xf32, #tpu.memory_space<vmem>>, vector<1x15744xf32>
      tpu.vector_store %arg1[%swap3A, %swap3A_10], %add3A {strides = array<i32>} : memref<128x15744xf32, #tpu.memory_space<vmem>>, vector<1x15744xf32>,
      scf.yield %add3A : vector<1x15744xf32>
    }
    %scan3A_5 = arith.constant 128 : i32
    return
  }
}

module attributes {stable_mosaic.version = 14 : i64} {
  func.func @_l2_body(%arg0: memref<128x128xf32, #tpu.memory_space<vmem>>, %arg1: memref<128x128xf32, #tpu.memory_space<vmem>>, %arg2: memref<1x128xf32, #tpu.memory_space<vmem>>) attributes {dimension_semantics = [], scalar_prefetch = 0 : i64, scratch_operands = 0 : i64, tpu.core_type = #tpu.core_type<tc>} {
    %broadcast_in_dim3A = arith.constant 0.000000e+00 : f32
    %broadcast_in_dim3A_0 = vector.broadcast %broadcast_in_dim3A : f32 to vector<1x128xf32>
    %scan3A = arith.constant 0 : i32
    %scan3A_1 = arith.constant 128 : i32
    %scan3A_2 = arith.addi %scan3A, %scan3A_1 : i32
    %scan3A_3 = arith.constant 1 : i32
    %scan3A_4 = scf.for %scan3A_16 = %scan3A to %scan3A_2 step %scan3A_3 iter_args(%scan3A_17 = %broadcast_in_dim3A_0) -> (vector<1x128xf32>)  : i32 {
      %get3A = arith.index_cast %scan3A_16 : i32 to index
      %get3A_18 = arith.constant 0 : index
      %get3A_19 = vector.load %arg0[%get3A, %get3A_18] : memref<128x128xf32, #tpu.memory_space<vmem>>, vector<1x128xf32>
      %add3A = arith.addf %scan3A_17, %get3A_19 : vector<1x128xf32>
      %swap3A_20 = arith.index_cast %scan3A_16 : i32 to index
      %swap3A_21 = arith.constant 0 : index
      %swap3A_22 = vector.load %arg1[%swap3A_20, %swap3A_21] : memref<128x128xf32, #tpu.memory_space<vmem>>, vector<1x128xf32>
      tpu.vector_store %arg1[%swap3A_20, %swap3A_21], %add3A {strides = array<i32>} : memref<128x128xf32, #tpu.memory_space<vmem>>, vector<1x128xf32>,
      scf.yield %add3A : vector<1x128xf32>
    }
    %scan3A_5 = arith.constant 128 : i32
    %broadcast_in_dim3A_6 = arith.constant 0.000000e+00 : f32
    %broadcast_in_dim3A_7 = vector.broadcast %broadcast_in_dim3A_6 : f32 to vector<1x1xf32>
    %slice3A = vector.extract_strided_slice %scan3A_4 {offsets = [0, 0], sizes = [1, 127], strides = [1, 1]} : vector<1x128xf32> to vector<1x127xf32>
    %concatenate3A = tpu.concatenate %broadcast_in_dim3A_7, %slice3A in 1 : vector<1x1xf32>, vector<1x127xf32> -> vector<1x128xf32>
    %iota3A = tpu.iota {dimensions = array<i32: 1>} : vector<1x128xi32>
    %scan3A_8 = arith.constant 1 : i32
    %scan3A_9 = arith.constant 127 : i32
    %scan3A_10 = arith.addi %scan3A_8, %scan3A_9 : i32
    %scan3A_11 = arith.constant 1 : i32
    %scan3A_12 = scf.for %scan3A_16 = %scan3A_8 to %scan3A_10 step %scan3A_11 iter_args(%scan3A_17 = %concatenate3A) -> (vector<1x128xf32>)  : i32 {
      %eq3A = vector.broadcast %scan3A_16 : i32 to vector<1x128xi32>
      %eq3A_18 = arith.cmpi eq, %iota3A, %eq3A : vector<1x128xi32>
      %broadcast_in_dim3A_19 = arith.constant 0.000000e+00 : f32
      %broadcast_in_dim3A_20 = vector.broadcast %broadcast_in_dim3A_19 : f32 to vector<1x1xf32>
      %slice3A_21 = vector.extract_strided_slice %scan3A_17 {offsets = [0, 0], sizes = [1, 127], strides = [1, 1]} : vector<1x128xf32> to vector<1x127xf32>
      %concatenate3A_22 = tpu.concatenate %broadcast_in_dim3A_20, %slice3A_21 in 1 : vector<1x1xf32>, vector<1x127xf32> -> vector<1x128xf32>
      %jit3A = arith.constant 0.000000e+00 : f32
      %broadcast_in_dim3A_23 = vector.broadcast %jit3A : f32 to vector<1x128xf32>
      %select_n3A = arith.select %eq3A_18, %concatenate3A_22, %broadcast_in_dim3A_23 : vector<1x128xi1>, vector<1x128xf32>
      %add3A = arith.addf %scan3A_17, %select_n3A : vector<1x128xf32>
      scf.yield %add3A : vector<1x128xf32>
    }
    %scan3A_13 = arith.constant 127 : i32
    %swap3A = arith.constant 0 : index
    %swap3A_14 = arith.constant 0 : index
    %swap3A_15 = vector.load %arg2[%swap3A, %swap3A_14] : memref<1x128xf32, #tpu.memory_space<vmem>>, vector<1x128xf32>
    tpu.vector_store %arg2[%swap3A, %swap3A_14], %scan3A_12 {strides = array<i32>} : memref<1x128xf32, #tpu.memory_space<vmem>>, vector<1x128xf32>,
    return
  }
}

module attributes {stable_mosaic.version = 14 : i64} {
  func.func @_combine_body(%arg0: memref<128x15744xf32, #tpu.memory_space<vmem>>, %arg1: memref<1x15744xf32, #tpu.memory_space<vmem>>, %arg2: memref<128x15744xf32, #tpu.memory_space<vmem>>) attributes {dimension_semantics = [], scalar_prefetch = 0 : i64, scratch_operands = 0 : i64, tpu.core_type = #tpu.core_type<tc>} {
    %scan3A = arith.constant 0 : i32
    %scan3A_0 = arith.constant 128 : i32
    %scan3A_1 = arith.addi %scan3A, %scan3A_0 : i32
    %scan3A_2 = arith.constant 1 : i32
    scf.for %scan3A_4 = %scan3A to %scan3A_1 step %scan3A_2  : i32 {
      %get3A = arith.index_cast %scan3A_4 : i32 to index
      %get3A_5 = arith.constant 0 : index
      %get3A_6 = vector.load %arg0[%get3A, %get3A_5] : memref<128x15744xf32, #tpu.memory_space<vmem>>, vector<1x15744xf32>
      %get3A_7 = arith.constant 0 : index
      %get3A_8 = arith.constant 0 : index
      %get3A_9 = vector.load %arg1[%get3A_7, %get3A_8] : memref<1x15744xf32, #tpu.memory_space<vmem>>, vector<1x15744xf32>
      %add3A = arith.addf %get3A_6, %get3A_9 : vector<1x15744xf32>
      %swap3A = arith.index_cast %scan3A_4 : i32 to index
      %swap3A_10 = arith.constant 0 : index
      %swap3A_11 = vector.load %arg2[%swap3A, %swap3A_10] : memref<128x15744xf32, #tpu.memory_space<vmem>>, vector<1x15744xf32>
      tpu.vector_store %arg2[%swap3A, %swap3A_10], %add3A {strides = array<i32>} : memref<128x15744xf32, #tpu.memory_space<vmem>>, vector<1x15744xf32>,
    }
    %scan3A_3 = arith.constant 128 : i32
    return
  }
}

module attributes {stable_mosaic.version = 14 : i64} {
  func.func @_tr_body(%arg0: i32, %arg1: memref<128x128xf32, #tpu.memory_space<vmem>>, %arg2: memref<128x128xf32, #tpu.memory_space<vmem>>) attributes {dimension_semantics = [#tpu.dimension_semantics<arbitrary>], iteration_bounds = array<i64: 123>, scalar_prefetch = 0 : i64, scratch_operands = 0 : i64, tpu.core_type = #tpu.core_type<tc>, window_params = [{transform_indices = @transform_0, window_bounds = array<i64: 128, 128>}, {transform_indices = @transform_1, window_bounds = array<i64: 128, 128>}]} {
    %get3A = arith.constant 0 : index
    %get3A_0 = arith.constant 0 : index
    %get3A_1 = vector.load %arg1[%get3A, %get3A_0] : memref<128x128xf32, #tpu.memory_space<vmem>>, vector<128x128xf32>
    %transpose3A = tpu.transpose %get3A_1, [1, 0] : vector<128x128xf32> -> vector<128x128xf32>
    %swap3A = arith.constant 0 : index
    %swap3A_2 = arith.constant 0 : index
    %swap3A_3 = vector.load %arg2[%swap3A, %swap3A_2] : memref<128x128xf32, #tpu.memory_space<vmem>>, vector<128x128xf32>
    tpu.vector_store %arg2[%swap3A, %swap3A_2], %transpose3A {strides = array<i32>} : memref<128x128xf32, #tpu.memory_space<vmem>>, vector<128x128xf32>,
    return
  }
  func.func @transform_0(%arg0: i32) -> (i32, i32) {
    %c0_i32 = arith.constant 0 : i32
    %c0_i32_0 = arith.constant 0 : i32
    return %c0_i32, %arg0 : i32, i32
  }
  func.func @transform_1(%arg0: i32) -> (i32, i32) {
    %c0_i32 = arith.constant 0 : i32
    %c0_i32_0 = arith.constant 0 : i32
    return %arg0, %c0_i32 : i32, i32
  }
}

module attributes {stable_mosaic.version = 14 : i64} {
  func.func @_locate_body(%arg0: i32, %arg1: memref<1x1xf32, #tpu.memory_space<smem>>, %arg2: memref<1024x1xf32, #tpu.memory_space<vmem>>, %arg3: memref<1x128xf32, #tpu.memory_space<vmem>>, %arg4: memref<128x128xf32, #tpu.memory_space<vmem>>, %arg5: memref<1024x1xi32, #tpu.memory_space<vmem>>, %arg6: memref<1024x1xf32, #tpu.memory_space<vmem>>) attributes {dimension_semantics = [#tpu.dimension_semantics<arbitrary>], iteration_bounds = array<i64: 128>, scalar_prefetch = 0 : i64, scratch_operands = 0 : i64, tpu.core_type = #tpu.core_type<tc>, window_params = [{transform_indices = @transform_0, window_bounds = array<i64: 1, 1>}, {transform_indices = @transform_1, window_bounds = array<i64: 1024, 1>}, {pipeline_mode = #tpu.pipeline_mode<synchronous>, transform_indices = @transform_2, window_bounds = array<i64: 1, 128>}, {pipeline_mode = #tpu.pipeline_mode<synchronous>, transform_indices = @transform_3, window_bounds = array<i64: 128, 128>}, {transform_indices = @transform_4, window_bounds = array<i64: 1024, 1>}, {transform_indices = @transform_5, window_bounds = array<i64: 1024, 1>}]} {
    %get3A = arith.constant 0 : index
    %get3A_0 = arith.constant 0 : index
    %get3A_1 = memref.load %arg1[%get3A, %get3A_0] : memref<1x1xf32, #tpu.memory_space<smem>>
    %add3A = arith.constant 9.99999996E-13 : f32
    %add3A_2 = arith.addf %get3A_1, %add3A : f32
    %get3A_3 = arith.constant 0 : index
    %get3A_4 = arith.constant 0 : index
    %get3A_5 = vector.load %arg2[%get3A_3, %get3A_4] : memref<1024x1xf32, #tpu.memory_space<vmem>>, vector<1024x1xf32>
    %mul3A = vector.broadcast %add3A_2 : f32 to vector<1024x1xf32>
    %mul3A_6 = arith.mulf %get3A_5, %mul3A : vector<1024x1xf32>
    %get3A_7 = arith.constant 0 : index
    %get3A_8 = arith.constant 0 : index
    %get3A_9 = vector.load %arg3[%get3A_7, %get3A_8] : memref<1x128xf32, #tpu.memory_space<vmem>>, vector<1x128xf32>
    %lt3A = vector.broadcast %get3A_9 : vector<1x128xf32> to vector<1024x128xf32>
    %lt3A_10 = vector.broadcast %mul3A_6 : vector<1024x1xf32> to vector<1024x128xf32>
    %lt3A_11 = arith.cmpf olt, %lt3A, %lt3A_10 : vector<1024x128xf32>
    %convert_element_type3A = arith.extui %lt3A_11 : vector<1024x128xi1> to vector<1024x128xi32>
    %reduce_sum3A = arith.constant dense<0> : vector<1024xi32>
    %reduce_sum3A_12 = vector.multi_reduction <add>, %convert_element_type3A, %reduce_sum3A [1] : vector<1024x128xi32> to vector<1024xi32>
    %broadcast_in_dim3A = vector.shape_cast %reduce_sum3A_12 : vector<1024xi32> to vector<1024x1xi32>
    %min3A = arith.constant 122 : i32
    %min3A_13 = vector.broadcast %min3A : i32 to vector<1024x1xi32>
    %min3A_14 = arith.minsi %broadcast_in_dim3A, %min3A_13 : vector<1024x1xi32>
    %iota3A = tpu.iota {dimensions = array<i32: 1>} : vector<1024x128xi32>
    %eq3A = vector.broadcast %min3A_14 : vector<1024x1xi32> to vector<1024x128xi32>
    %eq3A_15 = arith.cmpi eq, %iota3A, %eq3A : vector<1024x128xi32>
    %convert_element_type3A_16 = arith.extui %eq3A_15 : vector<1024x128xi1> to vector<1024x128xi32>
    %convert_element_type3A_17 = arith.sitofp %convert_element_type3A_16 : vector<1024x128xi32> to vector<1024x128xf32>
    %get3A_18 = arith.constant 0 : index
    %get3A_19 = arith.constant 0 : index
    %get3A_20 = vector.load %arg4[%get3A_18, %get3A_19] : memref<128x128xf32, #tpu.memory_space<vmem>>, vector<128x128xf32>
    %dot_general3A = arith.constant dense<0.000000e+00> : vector<1024x128xf32>
    %dot_general3A_21 = tpu.matmul %convert_element_type3A_17, %get3A_20, %dot_general3A {dimension_numbers = #tpu.dot_dimension_numbers<[1], [0], [0], [1], [0, 0, 1, 1], [], []>, precision = #tpu.contract_precision<fp32>, transpose_lhs_hint = false} : vector<1024x128xf32>, vector<128x128xf32>, vector<1024x128xf32> -> vector<1024x128xf32>
    %lt3A_22 = vector.broadcast %mul3A_6 : vector<1024x1xf32> to vector<1024x128xf32>
    %lt3A_23 = arith.cmpf olt, %dot_general3A_21, %lt3A_22 : vector<1024x128xf32>
    %convert_element_type3A_24 = arith.extui %lt3A_23 : vector<1024x128xi1> to vector<1024x128xi32>
    %reduce_sum3A_25 = arith.constant dense<0> : vector<1024xi32>
    %reduce_sum3A_26 = vector.multi_reduction <add>, %convert_element_type3A_24, %reduce_sum3A_25 [1] : vector<1024x128xi32> to vector<1024xi32>
    %broadcast_in_dim3A_27 = vector.shape_cast %reduce_sum3A_26 : vector<1024xi32> to vector<1024x1xi32>
    %mul3A_28 = arith.constant 128 : i32
    %mul3A_29 = vector.broadcast %mul3A_28 : i32 to vector<1024x1xi32>
    %mul3A_30 = arith.muli %min3A_14, %mul3A_29 : vector<1024x1xi32>
    %add3A_31 = arith.addi %mul3A_30, %broadcast_in_dim3A_27 : vector<1024x1xi32>
    %min3A_32 = arith.constant 15624 : i32
    %min3A_33 = vector.broadcast %min3A_32 : i32 to vector<1024x1xi32>
    %min3A_34 = arith.minsi %add3A_31, %min3A_33 : vector<1024x1xi32>
    %swap3A = arith.constant 0 : index
    %swap3A_35 = arith.constant 0 : index
    %swap3A_36 = vector.load %arg5[%swap3A, %swap3A_35] : memref<1024x1xi32, #tpu.memory_space<vmem>>, vector<1024x1xi32>
    tpu.vector_store %arg5[%swap3A, %swap3A_35], %min3A_34 {strides = array<i32>} : memref<1024x1xi32, #tpu.memory_space<vmem>>, vector<1024x1xi32>,
    %swap3A_37 = arith.constant 0 : index
    %swap3A_38 = arith.constant 0 : index
    %swap3A_39 = vector.load %arg6[%swap3A_37, %swap3A_38] : memref<1024x1xf32, #tpu.memory_space<vmem>>, vector<1024x1xf32>
    tpu.vector_store %arg6[%swap3A_37, %swap3A_38], %mul3A_6 {strides = array<i32>} : memref<1024x1xf32, #tpu.memory_space<vmem>>, vector<1024x1xf32>,
    return
  }
  func.func @transform_0(%arg0: i32) -> (i32, i32) {
    %c0_i32 = arith.constant 0 : i32
    %c0_i32_0 = arith.constant 0 : i32
    %c0_i32_1 = arith.constant 0 : i32
    return %c0_i32, %c0_i32_0 : i32, i32
  }
  func.func @transform_1(%arg0: i32) -> (i32, i32) {
    %c0_i32 = arith.constant 0 : i32
    %c0_i32_0 = arith.constant 0 : i32
    return %arg0, %c0_i32 : i32, i32
  }
  func.func @transform_2(%arg0: i32) -> (i32, i32) {
    %c0_i32 = arith.constant 0 : i32
    %c0_i32_0 = arith.constant 0 : i32
    %c0_i32_1 = arith.constant 0 : i32
    return %c0_i32, %c0_i32_0 : i32, i32
  }
  func.func @transform_3(%arg0: i32) -> (i32, i32) {
    %c0_i32 = arith.constant 0 : i32
    %c0_i32_0 = arith.constant 0 : i32
    %c0_i32_1 = arith.constant 0 : i32
    return %c0_i32, %c0_i32_0 : i32, i32
  }
  func.func @transform_4(%arg0: i32) -> (i32, i32) {
    %c0_i32 = arith.constant 0 : i32
    %c0_i32_0 = arith.constant 0 : i32
    return %arg0, %c0_i32 : i32, i32
  }
  func.func @transform_5(%arg0: i32) -> (i32, i32) {
    %c0_i32 = arith.constant 0 : i32
    %c0_i32_0 = arith.constant 0 : i32
    return %arg0, %c0_i32 : i32, i32
  }
}

module attributes {stable_mosaic.version = 14 : i64} {
  func.func @_count_body(%arg0: i32, %arg1: memref<1024x128xf32, #tpu.memory_space<vmem>>, %arg2: memref<1024x1xf32, #tpu.memory_space<vmem>>, %arg3: memref<1024x1xi32, #tpu.memory_space<vmem>>, %arg4: memref<1024x1xi32, #tpu.memory_space<vmem>>, %arg5: memref<1024x1xi32, #tpu.memory_space<vmem>>) attributes {dimension_semantics = [#tpu.dimension_semantics<arbitrary>], iteration_bounds = array<i64: 128>, scalar_prefetch = 0 : i64, scratch_operands = 0 : i64, tpu.core_type = #tpu.core_type<tc>, window_params = [{transform_indices = @transform_0, window_bounds = array<i64: 1024, 128>}, {transform_indices = @transform_1, window_bounds = array<i64: 1024, 1>}, {transform_indices = @transform_2, window_bounds = array<i64: 1024, 1>}, {transform_indices = @transform_3, window_bounds = array<i64: 1024, 1>}, {transform_indices = @transform_4, window_bounds = array<i64: 1024, 1>}]} {
    %get3A = arith.constant 0 : index
    %get3A_0 = arith.constant 0 : index
    %get3A_1 = vector.load %arg1[%get3A, %get3A_0] : memref<1024x128xf32, #tpu.memory_space<vmem>>, vector<1024x128xf32>
    %get3A_2 = arith.constant 0 : index
    %get3A_3 = arith.constant 0 : index
    %get3A_4 = vector.load %arg2[%get3A_2, %get3A_3] : memref<1024x1xf32, #tpu.memory_space<vmem>>, vector<1024x1xf32>
    %lt3A = vector.broadcast %get3A_4 : vector<1024x1xf32> to vector<1024x128xf32>
    %lt3A_5 = arith.cmpf olt, %get3A_1, %lt3A : vector<1024x128xf32>
    %convert_element_type3A = arith.extui %lt3A_5 : vector<1024x128xi1> to vector<1024x128xi32>
    %reduce_sum3A = arith.constant dense<0> : vector<1024xi32>
    %reduce_sum3A_6 = vector.multi_reduction <add>, %convert_element_type3A, %reduce_sum3A [1] : vector<1024x128xi32> to vector<1024xi32>
    %broadcast_in_dim3A = vector.shape_cast %reduce_sum3A_6 : vector<1024xi32> to vector<1024x1xi32>
    %get3A_7 = arith.constant 0 : index
    %get3A_8 = arith.constant 0 : index
    %get3A_9 = vector.load %arg3[%get3A_7, %get3A_8] : memref<1024x1xi32, #tpu.memory_space<vmem>>, vector<1024x1xi32>
    %mul3A = arith.constant 128 : i32
    %mul3A_10 = vector.broadcast %mul3A : i32 to vector<1024x1xi32>
    %mul3A_11 = arith.muli %get3A_9, %mul3A_10 : vector<1024x1xi32>
    %add3A = arith.addi %mul3A_11, %broadcast_in_dim3A : vector<1024x1xi32>
    %min3A = arith.constant 1999999 : i32
    %min3A_12 = vector.broadcast %min3A : i32 to vector<1024x1xi32>
    %min3A_13 = arith.minsi %add3A, %min3A_12 : vector<1024x1xi32>
    %jit3A = arith.constant 32 : i32
    %div3A = vector.broadcast %jit3A : i32 to vector<1024x1xi32>
    %div3A_14 = arith.divsi %min3A_13, %div3A : vector<1024x1xi32>
    %sign3A = arith.constant 0 : i32
    %sign3A_15 = vector.broadcast %sign3A : i32 to vector<1024x1xi32>
    %sign3A_16 = arith.cmpi sgt, %min3A_13, %sign3A_15 : vector<1024x1xi32>
    %sign3A_17 = arith.extui %sign3A_16 : vector<1024x1xi1> to vector<1024x1xi32>
    %sign3A_18 = arith.constant 0 : i32
    %sign3A_19 = vector.broadcast %sign3A_18 : i32 to vector<1024x1xi32>
    %sign3A_20 = arith.cmpi slt, %min3A_13, %sign3A_19 : vector<1024x1xi32>
    %sign3A_21 = arith.extui %sign3A_20 : vector<1024x1xi1> to vector<1024x1xi32>
    %sign3A_22 = arith.subi %sign3A_17, %sign3A_21 : vector<1024x1xi32>
    %sign3A_23 = arith.constant 0 : i32
    %sign3A_24 = arith.cmpi sgt, %jit3A, %sign3A_23 : i32
    %sign3A_25 = arith.extui %sign3A_24 : i1 to i32
    %sign3A_26 = arith.constant 0 : i32
    %sign3A_27 = arith.cmpi slt, %jit3A, %sign3A_26 : i32
    %sign3A_28 = arith.extui %sign3A_27 : i1 to i32
    %sign3A_29 = arith.subi %sign3A_25, %sign3A_28 : i32
    %ne3A = vector.broadcast %sign3A_29 : i32 to vector<1024x1xi32>
    %ne3A_30 = arith.cmpi ne, %sign3A_22, %ne3A : vector<1024x1xi32>
    %rem3A = vector.broadcast %jit3A : i32 to vector<1024x1xi32>
    %rem3A_31 = arith.remsi %min3A_13, %rem3A : vector<1024x1xi32>
    %ne3A_32 = arith.constant 0 : i32
    %ne3A_33 = vector.broadcast %ne3A_32 : i32 to vector<1024x1xi32>
    %ne3A_34 = arith.cmpi ne, %rem3A_31, %ne3A_33 : vector<1024x1xi32>
    %and3A = arith.andi %ne3A_30, %ne3A_34 : vector<1024x1xi1>
    %sub3A = arith.constant 1 : i32
    %sub3A_35 = vector.broadcast %sub3A : i32 to vector<1024x1xi32>
    %sub3A_36 = arith.subi %div3A_14, %sub3A_35 : vector<1024x1xi32>
    %select_n3A = arith.select %and3A, %sub3A_36, %div3A_14 : vector<1024x1xi1>, vector<1024x1xi32>
    %swap3A = arith.constant 0 : index
    %swap3A_37 = arith.constant 0 : index
    %swap3A_38 = vector.load %arg4[%swap3A, %swap3A_37] : memref<1024x1xi32, #tpu.memory_space<vmem>>, vector<1024x1xi32>
    tpu.vector_store %arg4[%swap3A, %swap3A_37], %select_n3A {strides = array<i32>} : memref<1024x1xi32, #tpu.memory_space<vmem>>, vector<1024x1xi32>,
    %jit3A_39 = arith.constant 32 : i32
    %eq3A = arith.constant 0 : i32
    %eq3A_40 = arith.cmpi eq, %jit3A_39, %eq3A : i32
    %jit3A_41 = arith.constant 1 : i32
    %select_n3A_42 = arith.select %eq3A_40, %jit3A_41, %jit3A_39 : i32
    %rem3A_43 = vector.broadcast %select_n3A_42 : i32 to vector<1024x1xi32>
    %rem3A_44 = arith.remsi %min3A_13, %rem3A_43 : vector<1024x1xi32>
    %ne3A_45 = arith.constant 0 : i32
    %ne3A_46 = vector.broadcast %ne3A_45 : i32 to vector<1024x1xi32>
    %ne3A_47 = arith.cmpi ne, %rem3A_44, %ne3A_46 : vector<1024x1xi32>
    %lt3A_48 = arith.constant 0 : i32
    %lt3A_49 = vector.broadcast %lt3A_48 : i32 to vector<1024x1xi32>
    %lt3A_50 = arith.cmpi slt, %rem3A_44, %lt3A_49 : vector<1024x1xi32>
    %lt3A_51 = arith.constant 0 : i32
    %lt3A_52 = arith.cmpi slt, %select_n3A_42, %lt3A_51 : i32
    %ne3A_53 = vector.broadcast %lt3A_52 : i1 to vector<1024x1xi1>
    %ne3A_54 = vector.broadcast %ne3A_53 : vector<1024x1xi1> to vector<1024x1xi1>
    %ne3A_55 = arith.xori %lt3A_50, %ne3A_54 : vector<1024x1xi1>
    %and3A_56 = arith.andi %ne3A_55, %ne3A_47 : vector<1024x1xi1>
    %add3A_57 = vector.broadcast %select_n3A_42 : i32 to vector<1024x1xi32>
    %add3A_58 = arith.addi %rem3A_44, %add3A_57 : vector<1024x1xi32>
    %select_n3A_59 = arith.select %and3A_56, %add3A_58, %rem3A_44 : vector<1024x1xi1>, vector<1024x1xi32>
    %mul3A_60 = arith.constant 4 : i32
    %mul3A_61 = vector.broadcast %mul3A_60 : i32 to vector<1024x1xi32>
    %mul3A_62 = arith.muli %select_n3A_59, %mul3A_61 : vector<1024x1xi32>
    %swap3A_63 = arith.constant 0 : index
    %swap3A_64 = arith.constant 0 : index
    %swap3A_65 = vector.load %arg5[%swap3A_63, %swap3A_64] : memref<1024x1xi32, #tpu.memory_space<vmem>>, vector<1024x1xi32>
    tpu.vector_store %arg5[%swap3A_63, %swap3A_64], %mul3A_62 {strides = array<i32>} : memref<1024x1xi32, #tpu.memory_space<vmem>>, vector<1024x1xi32>,
    return
  }
  func.func @transform_0(%arg0: i32) -> (i32, i32) {
    %c0_i32 = arith.constant 0 : i32
    %c0_i32_0 = arith.constant 0 : i32
    return %arg0, %c0_i32 : i32, i32
  }
  func.func @transform_1(%arg0: i32) -> (i32, i32) {
    %c0_i32 = arith.constant 0 : i32
    %c0_i32_0 = arith.constant 0 : i32
    return %arg0, %c0_i32 : i32, i32
  }
  func.func @transform_2(%arg0: i32) -> (i32, i32) {
    %c0_i32 = arith.constant 0 : i32
    %c0_i32_0 = arith.constant 0 : i32
    return %arg0, %c0_i32 : i32, i32
  }
  func.func @transform_3(%arg0: i32) -> (i32, i32) {
    %c0_i32 = arith.constant 0 : i32
    %c0_i32_0 = arith.constant 0 : i32
    return %arg0, %c0_i32 : i32, i32
  }
  func.func @transform_4(%arg0: i32) -> (i32, i32) {
    %c0_i32 = arith.constant 0 : i32
    %c0_i32_0 = arith.constant 0 : i32
    return %arg0, %c0_i32 : i32, i32
  }
}

module attributes {stable_mosaic.version = 14 : i64} {
  func.func @_affine_body(%arg0: i32, %arg1: memref<4096x3xf32, #tpu.memory_space<vmem>>, %arg2: memref<4096x3xf32, #tpu.memory_space<vmem>>, %arg3: memref<4096x3xf32, #tpu.memory_space<vmem>>, %arg4: memref<4096x3xf32, #tpu.memory_space<vmem>>) attributes {dimension_semantics = [#tpu.dimension_semantics<arbitrary>], iteration_bounds = array<i64: 32>, scalar_prefetch = 0 : i64, scratch_operands = 0 : i64, tpu.core_type = #tpu.core_type<tc>, window_params = [{transform_indices = @transform_0, window_bounds = array<i64: 4096, 3>}, {transform_indices = @transform_1, window_bounds = array<i64: 4096, 3>}, {transform_indices = @transform_2, window_bounds = array<i64: 4096, 3>}, {transform_indices = @transform_3, window_bounds = array<i64: 4096, 3>}]} {
    %get3A = arith.constant 0 : index
    %get3A_0 = arith.constant 0 : index
    %get3A_1 = vector.load %arg1[%get3A, %get3A_0] : memref<4096x3xf32, #tpu.memory_space<vmem>>, vector<4096x3xf32>
    %get3A_2 = arith.constant 0 : index
    %get3A_3 = arith.constant 0 : index
    %get3A_4 = vector.load %arg2[%get3A_2, %get3A_3] : memref<4096x3xf32, #tpu.memory_space<vmem>>, vector<4096x3xf32>
    %get3A_5 = arith.constant 0 : index
    %get3A_6 = arith.constant 0 : index
    %get3A_7 = vector.load %arg3[%get3A_5, %get3A_6] : memref<4096x3xf32, #tpu.memory_space<vmem>>, vector<4096x3xf32>
    %mul3A = arith.mulf %get3A_4, %get3A_7 : vector<4096x3xf32>
    %add3A = arith.addf %get3A_1, %mul3A : vector<4096x3xf32>
    %swap3A = arith.constant 0 : index
    %swap3A_8 = arith.constant 0 : index
    %swap3A_9 = vector.load %arg4[%swap3A, %swap3A_8] : memref<4096x3xf32, #tpu.memory_space<vmem>>, vector<4096x3xf32>
    tpu.vector_store %arg4[%swap3A, %swap3A_8], %add3A {strides = array<i32>} : memref<4096x3xf32, #tpu.memory_space<vmem>>, vector<4096x3xf32>,
    return
  }
  func.func @transform_0(%arg0: i32) -> (i32, i32) {
    %c0_i32 = arith.constant 0 : i32
    %c0_i32_0 = arith.constant 0 : i32
    return %arg0, %c0_i32 : i32, i32
  }
  func.func @transform_1(%arg0: i32) -> (i32, i32) {
    %c0_i32 = arith.constant 0 : i32
    %c0_i32_0 = arith.constant 0 : i32
    return %arg0, %c0_i32 : i32, i32
  }
  func.func @transform_2(%arg0: i32) -> (i32, i32) {
    %c0_i32 = arith.constant 0 : i32
    %c0_i32_0 = arith.constant 0 : i32
    return %arg0, %c0_i32 : i32, i32
  }
  func.func @transform_3(%arg0: i32) -> (i32, i32) {
    %c0_i32 = arith.constant 0 : i32
    %c0_i32_0 = arith.constant 0 : i32
    return %arg0, %c0_i32 : i32, i32
  }
}

</mosaic_0001>

<sc_bundles>
// kernel: gather_offload_async_start.1
scs
__scs_entry_jumppad:
0x0: {  	(pc) =	sbr.rel $0x88, $3  }
0x1: {  	(tag) =	ssettag $0x0;
	lr =	simm.s32 $0x1  }
0x2: {  	[smem:$0x3F9D] =	sst lr;
	_ =	strace $0xD0000000  }
0x3: {  	_ = 	snop  }
0x4: {  	_ = 	snop  }
0x5: {  	_ = 	snop  }
0x6: {  	_ = 	snop  }
0x7: {  	_ = 	snop  }
__scs_overlays_trampoline_lowered:
0x8: {  	[smem:$0x3FAC] =	sst s0  }
0x9: {  	[smem:$0x3FAD] =	sst s1  }
0xa: {  	[smem:$0x3FAE] =	sst s2  }
0xb: {  	[smem:$0x3FAF] =	sst s3  }
0xc: {  	[smem:$0x3FB0] =	sst s4  }
0xd: {  	[smem:$0x3FB1] =	sst s5  }
0xe: {  	[smem:$0x3FB2] =	sst s6  }
0xf: {  	[smem:$0x3FB3] =	sst s7  }
0x10: {  	[smem:$0x3FB4] =	sst s8  }
0x11: {  	[smem:$0x3FB5] =	sst s9;
	s0 =	simm.s32 @!p0 $0x0  }
0x12: {  	s1 =	sld [smem:$0x3F9B];
	s0 =	simm.s32 @p0 $0x1  }
0x13: {  	[smem:$0x3FB6] =	sst s0;
	s0 =	simm.s32 @!p1 $0x0  }
0x14: {  	s2 =	sld [smem:$0x3F9A];
	s0 =	simm.s32 @p1 $0x1  }
0x15: {  	[smem:$0x3FB7] =	sst s0;
	s0 =	simm.s32 @!p2 $0x0  }
0x16: {  	s3 =	sld [smem:$0x3FDB];
	s0 =	simm.s32 @p2 $0x1  }
0x17: {  	s4 =	simm.s32 $0x1BF5;
	[smem:$0x3FB9] =	sst s0  }
0x18: {  	s0 =	sld [smem:$0x3F9C];
	_ =	swait.ge [sflag:s4], $0x0  }
0x19: {  	s7 =	sld [smem:$0x3F9D]  }
0x1a: {  	s8 =	sadd.s32 $0xFFFFE003, lr  }
0x1b: {  	s9 =	sadd.s32 $0xFFFFFEF7, lr;
	s5 =	simm.s32 $0xFFFFFFFF;
	p2 =	slt.u32 s8, $0xFFFFF086  }
0x1c: {  	p1 =	slt.u32 s9, $0xF7A;
	s5 =	simm.s32 @!p2 $0x0  }
0x1d: {  	s5 =	simm.s32 @p1 $0x1;
	p0 =	seq.s32 s7, s2  }
0x1e: {  	s7 =	smul.u32 @!p0 $0xF7A, s2;
	p2 =	seq.s32 @!p0 s5, $0x0  }
0x1f: {  	s9 =	smul.u32 $0xF7A, s1;
	s8 =	simm.s32 @!p0 $0x1BF5;
	p2 =	por !p2, p0  }
0x20: {  	[sflag:s8] =	ssyncset.s32 @!p0 $0xFFFFF086;
	s6 =	sadd.s32 @!p0 s3, s7;
	s7 =	simm.s32 @!p0 $0x108  }
0x21: {  	s3 =	sadd.s32 s3, s9;
	s6 =	sadd.s32 @!p0 $0x88, s6;
	s7 =	simm.s32 @p2 $0x1082  }
0x22: {  	[simem:s7], [sflag:s8] =	dma.local @!p0 [hbm:s6], $0xF7A  }
0x23: {  	s9 =	sor.u32 $0xD0000000, s2;
	s6 =	simm.s32 $0x108;
	_ =	swait.ge @!p0 [sflag:s8], $0x0  }
0x24: {  	s3 =	sadd.s32 $0x88, s3;
	s6 =	simm.s32 @!p1 $0x1082;
	[sflag:s4] =	ssyncset.s32 $0xFFFFF086  }
0x25: {  	[simem:s6], [sflag:s4] =	dma.local [hbm:s3], $0xF7A  }
0x26: {  	[smem:$0x3F9D] =	sst s1;
	(tag) =	ssettag s2;
	_ =	strace s9  }
0x27: {  	s1 =	sld [smem:$0x3FAD]  }
0x28: {  	s2 =	sld [smem:$0x3FAE]  }
0x29: {  	s4 =	sld [smem:$0x3FB0]  }
0x2a: {  	p0 =	seq.s32 s5, $0x0;
	s5 =	sld [smem:$0x3FB1]  }
0x2b: {  	s6 =	sld [smem:$0x3FB2]  }
0x2c: {  	s7 =	sld [smem:$0x3FB3]  }
0x2d: {  	s3 =	simm.s32 $0x108;
	s8 =	sld [smem:$0x3FB4]  }
0x2e: {  	s3 =	simm.s32 @!p0 $0x1082;
	s9 =	sld [smem:$0x3FB5]  }
0x2f: {  	lr =	sadd.s32 s0, s3;
	s0 =	sld [smem:$0x3FAC]  }
0x30: {  	s3 =	sld [smem:$0x3FAF]  }
0x31: {  	[smem:$0x3FB8] =	sst s10  }
0x32: {  	s10 =	sld [smem:$0x3FB6];
	_ =	sdelay $0x3  }
0x33: {  	p0 =	seq.s32 s10, $0x1;
	s10 =	sld [smem:$0x3FB8];
	_ =	sdelay $0x3  }
0x34: {  	[smem:$0x3FB8] =	sst s10  }
0x35: {  	s10 =	sld [smem:$0x3FB7];
	_ =	sdelay $0x3  }
0x36: {  	p1 =	seq.s32 s10, $0x1;
	s10 =	sld [smem:$0x3FB8];
	_ =	sdelay $0x3  }
0x37: {  	[smem:$0x3FB8] =	sst s10  }
0x38: {  	s10 =	sld [smem:$0x3FB9]  }
0x39: {  	_ = 	snop;
	(pc) =	sbr.ind lr, $3  }
0x3a: {  	_ = 	snop  }
0x3b: {  	_ = 	snop  }
0x3c: {  	p2 =	seq.s32 s10, $0x1;
	s10 =	sld [smem:$0x3FB8]  }
0x3d: {  	_ =	shalt  }
0x3e: {  	_ =	shalt  }
0x3f: {  	_ =	shalt  }
0x40: {  	_ =	shalt  }
0x41: {  	_ =	shalt  }
0x42: {  	_ =	shalt  }
0x43: {  	_ =	shalt  }
0x44: {  	_ =	shalt  }
0x45: {  	_ =	shalt  }
0x46: {  	_ =	shalt  }
0x47: {  	_ =	shalt  }
0x48: {  	_ =	shalt  }
0x49: {  	_ =	shalt  }
0x4a: {  	_ =	shalt  }
0x4b: {  	_ =	shalt  }
0x4c: {  	_ =	shalt  }
0x4d: {  	_ =	shalt  }
0x4e: {  	_ =	shalt  }
0x4f: {  	_ =	shalt  }
0x50: {  	_ =	shalt  }
0x51: {  	_ =	shalt  }
0x52: {  	_ =	shalt  }
0x53: {  	_ =	shalt  }
0x54: {  	_ =	shalt  }
0x55: {  	_ =	shalt  }
0x56: {  	_ =	shalt  }
0x57: {  	_ =	shalt  }
0x58: {  	_ =	shalt  }
0x59: {  	_ =	shalt  }
0x5a: {  	_ =	shalt  }
0x5b: {  	_ =	shalt  }
0x5c: {  	_ =	shalt  }
0x5d: {  	_ =	shalt  }
0x5e: {  	_ =	shalt  }
0x5f: {  	_ =	shalt  }
0x60: {  	_ =	shalt  }
0x61: {  	_ =	shalt  }
0x62: {  	_ =	shalt  }
0x63: {  	_ =	shalt  }
0x64: {  	_ =	shalt  }
0x65: {  	_ =	shalt  }
0x66: {  	_ =	shalt  }
0x67: {  	_ =	shalt  }
0x68: {  	_ =	shalt  }
0x69: {  	_ =	shalt  }
0x6a: {  	_ =	shalt  }
0x6b: {  	_ =	shalt  }
0x6c: {  	_ =	shalt  }
0x6d: {  	_ =	shalt  }
0x6e: {  	_ =	shalt  }
0x6f: {  	_ =	shalt  }
0x70: {  	_ =	shalt  }
0x71: {  	_ =	shalt  }
0x72: {  	_ =	shalt  }
0x73: {  	_ =	shalt  }
0x74: {  	_ =	shalt  }
0x75: {  	_ =	shalt  }
0x76: {  	_ =	shalt  }
0x77: {  	_ =	shalt  }
0x78: {  	_ =	shalt  }
0x79: {  	_ =	shalt  }
0x7a: {  	_ =	shalt  }
0x7b: {  	_ =	shalt  }
0x7c: {  	_ =	shalt  }
0x7d: {  	_ =	shalt  }
0x7e: {  	_ =	shalt  }
0x7f: {  	_ =	shalt  }
0x80: {  	_ =	shalt  }
0x81: {  	_ =	shalt  }
0x82: {  	_ =	shalt  }
0x83: {  	_ =	shalt  }
0x84: {  	_ =	shalt  }
0x85: {  	_ =	shalt  }
0x86: {  	_ =	shalt  }
0x87: {  	_ =	shalt  }
.Lfunc_end0:
.L_simem_size_0:
called_computation.1_lowered:
.L_overlay_start_0:
0x88: {  	s2 =	sld [smem:$0x3FD9]  }
0x89: {  	s3 =	sld [smem:$0x3FFE];
	_ =	sdelay $0x1  }
0x8a: {  	s1 =	srdreg.scid  }
0x8b: {  	s0 =	sand.u32 $0x1, s1  }
0x8c: {  	s17 =	sshll.u32 s0, $0xA;
	s2 =	sadd.s32 s3, s2  }
0x8d: {  	s2 =	sadd.s32 s2, s17  }
0x8e: {  	[smem:$0x3FC4] =	sst s2  }
0x8f: {  	_ = 	snop  }
0x90: {  	s2 =	sld [smem:$0x3FC8]  }
0x91: {  	s18 =	sld [smem:$0x3FD0];
	(tm) =	ssettm $0x1  }
0x92: {  	s4 =	sld [smem:$0x3FFB];
	_ =	sdelay $0x3  }
0x93: {  	_ =	strace s4  }
0x94: {  	s4 =	sld [smem:$0x3FFC];
	_ =	sdelay $0x3  }
0x95: {  	_ =	strace s4  }
0x96: {  	s4 =	sld [smem:$0x3FFD];
	_ =	sdelay $0x3  }
0x97: {  	_ =	strace s4  }
0x98: {  	_ =	strace $0x8FFFFFFF  }
0x99: {  	s19 =	sld [smem:$0x3FDB];
	_ =	sdelay $0x1  }
0x9a: {  	s5 =	simm.s32 $_scs_section_size  }
0x9b: {  	s6 =	simm.s32 $_size__tile_overlayer_lowered;
	s7 =	simm.s32 $_tile_overlayer_lowered  }
0x9c: {  	s22 =	simm.s32 $0x1BFF;
	s21 =	sshll.u32 s7, $0x1;
	s4 =	sadd.s32 s5, s19  }
0x9d: {  	s8 =	simm.s32 $0x0;
	s20 =	sshll.u32 s6, $0x1;
	s6 =	sadd.s32 s21, s4  }
0x9e: {  	[timem:s8], [sflag:s22] =	dma.local [hbm:s6], s20  }
0x9f: {  	_ =	swait.ge [sflag:s22], s20  }
0xa0: {  	s5 =	ssub.s32 $0x0, s20;
	[sflag:s22] =	ssyncset.done $0x0  }
0xa1: {  	[sflag:s22] =	ssyncadd.s32 s5;
	_ =	sdelay $0x1  }
0xa2: {  	s23 =	simm.s32 $0x1B8B  }
0xa3: {  	_ =	swait.ge [sflag:s23], $0x1  }
0xa4: {  	[sflag:s23] =	ssyncset.done $0x0  }
0xa5: {  	s25 =	simm.s32 $0x1B8E;
	s24 =	sld [smem:$0x3FFE];
	[sflag:s23] =	ssyncadd.s32 $0xFFFFFFFF  }
0xa6: {  	s26 =	simm.s32 $execute0_lowered;
	[smem:$0x3FD2] =	sst s25  }
0xa7: {  	s6 =	sshll.u32 s26, $0x1;
	_ =	strace $0x80000049;
	[dreg:$0x1] =	wrdreg $0xFFFFFFFF  }
0xa8: {  	s28 =	simm.s32 $_size_execute0_lowered;
	s4 =	sadd.s32 s4, s6;
	[dreg:$0x0] =	wrdreg $0x0  }
0xa9: {  	s6 =	sshll.u32 s28, $0x1;
	[dreg:$0x2] =	wrdreg s4  }
0xaa: {  	[dreg:$0x3] =	wrdreg s6  }
0xab: {  	[dreg:$0x4] =	wrdreg $0xC0  }
0xac: {  	_ =	task [dreg:s8], $0x5FFFF  }
0xad: {  	[dreg:$0x1] =	wrdreg $0xFFFFFFFF  }
0xae: {  	[dreg:$0x0] =	wrdreg $0x60  }
0xaf: {  	[dreg:$0x2] =	wrdreg s2  }
0xb0: {  	[dreg:$0x3] =	wrdreg s24  }
0xb1: {  	[dreg:$0x4] =	wrdreg s18  }
0xb2: {  	[dreg:$0x5] =	wrdreg $0x9  }
0xb3: {  	_ =	task.clear_ibuf [dreg:s8], $0x6FFFF;
	_ =	strace $0x90000049  }
0xb4: {  	s29 =	simm.s32 $0x9;
	_ =	strace $0x8000004B  }
0xb5: {  	_ =	swait.ge [sflag:s29], $0x1  }
0xb6: {  	[sflag:s29] =	ssyncadd.s32 $0xFFFFFFFF  }
0xb7: {  	_ =	strace $0x9000004B  }
0xb8: {  	_ =	sfence  }
0xb9: {  	s30 =	sld [smem:$0x0];
	_ =	sdelay $0x2  }
0xba: {  	s31 =	sshll.u32 s1, $0xD;
	s1 =	sshrl.u32 s1, $0x2  }
0xbb: {  	s3 =	sand.u32 $0x4000, s31;
	s1 =	sadd.s32 s1, s30  }
0xbc: {  	s0 =	sor.u32 s3, s0;
	s1 =	sshll.u32 s1, $0x11  }
0xbd: {  	s0 =	sor.u32 s1, s0  }
0xbe: {  	s0 =	sadd.s32 $0x8F2B, s0  }
0xbf: {  	[sflag:s0] =	ssyncadd.remote.s32 $0x1  }
0xc0: {  	_ =	sfence.sel $0xFFFF  }
0xc1: {  	[dreg:$0x0] =	wrdreg $0xFFFFFFFF;
	(pc) =	sbr.abs _section_cstart, $3  }
0xc2: {  	[dreg:$0x1] =	wrdreg $0xFFFFFFFF  }
0xc3: {  	_ =	task.clear_ibuf [dreg:s8], $0x2FFFF;
	_ =	strace $0x9FFFFFFF  }
0xc4: {  	(tm) =	ssettm $0x7FFFFFFF  }
0xc5: {  	_ =	shalt  }
tec
execute0_lowered:
.L_overlay_start_1:
0x0: {  	(tag) =	ssettag $0x1  }
0x1: {  	s2 =	rddreg [dreg:$0x0]  }
0x2: {  	s1 =	srdreg.scid;
	s5 =	rddreg [dreg:$0x1]  }
0x3: {  	s0 =	stileid.u32;
	s3 =	rddreg [dreg:$0x2]  }
0x4: {  	s9 =	simm.s32 $0x1;
	s10 =	simm.s32 $0x3;
	s1 =	sshll.u32 s1, $0xB  }
0x5: {  	s13 =	simm.s32 $0x0;
	s4 =	sshll.u32 s0, $0xC;
	s6 =	sand.u32 $0x800, s1  }
0x6: {  	s12 =	simm.s32 $0x0;
	s5 =	sadd.s32 $0x200000, s5;
	s4 =	sor.u32 s4, s6  }
0x7: {  	s1 =	rddreg [dreg:$0x3];
	_ =	strace $0x8000004A;
	s8 =	ssub.s32 $0x20000, s4  }
.Ltmp0:
0x8: {  	s6 =	simm.s32 $0x1;
	s7 =	sand.u32 $0xF800, s8;
	(pc) =	sbr.rel .LBB2_1-.Ltmp0, $4  }
0x9: {  	[sflag:s6] =	ssyncpa.u1 $0x0;
	s11 =	smov.u32 s4;
	p0 =	sne.s32 s7, $0x0  }
0xa: {  	s8 =	sshrl.u32 s8, $0x10;
	s7 =	simm.s32 $0x2;
	s9 =	simm.s32 @!p0 $0x0  }
0xb: {  	[sflag:s7] =	ssyncpa.u1 $0x0;
	p0 =	por $0x0, $0x0;
	s8 =	sadd.s32 s9, s8  }
0xc: {  	vm0 =	vmmov $0xffff;
	[sflag:s10] =	ssyncpa.u1 $0x0;
	s10 =	simm.s32 $0x0;
	s9 =	sadd.s32 $0x1, s8  }
.LBB2_4:
0xd: {  	v2 =	vnsel vm1, $0x0, v2  }
0xe: {  	vm1 =	vgt.s32 v0, $0x0;
	v2 =	vmin.u32 v2, $0x1E847F  }
0xf: {  	v0 =	vnsel vm1, $0x0, v0  }
0x10: {  	v0 =	vmin.u32 v0, $0x1E847F  }
0x11: {  	[tilespmem:s15], [sflag:$0x1] =	stream.indirect_vreg.gather [hbm4b:s2+s10], $0x1, v1, vm0, $0x4038;
	[tilespmem:$0x2000] =	vst v63  }
0x12: {  	(ifvalue) =	ssetifvalue $0x7FFFFFFF  }
0x13: {  	[tilespmem:s16], [sflag:$0x1] =	stream.indirect_vreg.gather [hbm4b:s2+s10], $0x1, v2, vm0, $0x4038;
	[tilespmem:$0x2000] =	vst v63  }
0x14: {  	s29 =	sadd.s32 $0x10, s16;
	(ifvalue) =	ssetifvalue $0x7FFFFFFF  }
0x15: {  	[tilespmem:s29], [sflag:$0x1] =	stream.indirect_vreg.gather [hbm4b:s2+s10], $0x1, v0, vm0, $0x4038;
	[tilespmem:$0x2000] =	vst v63  }
0x16: {  	_ =	swait.ge [sflag:s6], $0x800  }
0x17: {  	s30 =	sshrl.u32 s13, $0x3;
	[sflag:s6] =	ssyncset.done $0x0  }
0x18: {  	s31 =	sand.u32 $0x7, s13;
	s15 =	sadd.s32 s3, s30;
	[sflag:s6] =	ssyncadd.s32 $0xFFFFF800  }
0x19: {  	[hbm4b:s15+s31] =	stream.linear.scatter [tilespmem:s14], [sflag:$0x3], $0x800, $0x38;
	[tilespmem:$0x2000] =	vst v63  }
.LBB2_5:
0x1a: {  	s15 =	sadd.s32 $0x10000, s11  }
0x1b: {  	p2 =	sgt.s32 s15, $0x1FFFF  }
0x1c: {  	s15 =	smov.u32 @p2 s4;
	p2 =	sne.s32 s12, s9  }
.Ltmp1:
0x1d: {  	p1 =	slt.u32 s12, $0x2;
	(pc) =	sbr.rel @!p2 .LBB2_6-.Ltmp1, $4  }
0x1e: {  	s14 =	simm.s32 @!p1 $0x3  }
0x1f: {  	s16 =	sadd.s32 $0x1, s12;
	_ =	swait.ge @!p1 [sflag:s14], $0x800  }
0x20: {  	s13 =	smov.u32 s11;
	p0 =	por !p0, !p0;
	[sflag:s14] =	ssyncset.done @!p1 $0x0  }
0x21: {  	s12 =	smov.u32 s16;
	s11 =	smov.u32 s15;
	[sflag:s14] =	ssyncadd.s32 @!p1 $0xFFFFF800  }
.LBB2_1:
0x22: {  	p1 =	sge.u32 s12, s8  }
0x23: {  	s14 =	sxor.u32 @!p1 $0xFFFFFFFF, s12  }
0x24: {  	s31 =	sadd.s32 $0xFFFFFFFF, s12;
	s15 =	sshrl.u32 @!p1 s11, $0x3;
	s14 =	sshll.u32 @!p1 s14, $0xB  }
0x25: {  	s16 =	sand.u32 @!p1 $0x7, s11;
	s15 =	sadd.s32 @!p1 s5, s15;
	s14 =	sand.u32 @!p1 $0x800, s14  }
0x26: {  	[tilespmem:s14], [sflag:$0x2] =	stream.linear.gather @!p1 [hbm4b:s15+s16], $0x800, $0x38;
	[tilespmem:$0x2000] =	vst v63  }
0x27: {  	p1 =	sge.u32 s31, s8  }
.Ltmp2:
0x28: {  	_ = 	snop;
	(pc) =	sbr.rel @p1 .LBB2_5-.Ltmp2, $1  }
0x29: {  	_ =	sdelay $0x3  }
0x2a: {  	s14 =	simm.s32 $0x1  }
0x2b: {  	_ =	swait.ge [sflag:s7], $0x800;
	s14 =	simm.s32 @!p0 $0x0  }
0x2c: {  	[sflag:s7] =	ssyncset.done $0x0;
	s14 =	sshll.u32 s14, $0xB  }
0x2d: {  	[sflag:s7] =	ssyncadd.s32 $0xFFFFF800;
	(ifvalue) =	ssetifvalue $0x7FFFFFFF;
	v0 =	vld.msk [tilespmem:s14+$0x0 ss:$0x1], $0xffff;
	_ =	sdelay $0x4  }
0x2e: {  	s15 =	sadd.s32 $0x10, s14;
	vm1 =	vgt.s32 v0, $0x0  }
0x2f: {  	v2 =	vld.msk [tilespmem:s15+$0x0 ss:$0x1], $0xffff;
	v1 =	vnsel vm1, $0x0, v0  }
0x30: {  	v1 =	vmin.u32 v1, $0x1E847F;
	_ =	sdelay $0x1  }
0x31: {  	s16 =	sshll.u32 s12, $0xB;
	s18 =	simm.s32 $0x20  }
0x32: {  	s16 =	sand.u32 $0x800, s16;
	s17 =	sadd.s32 $0x10, s15;
	s15 =	sor.u32 $0x1000, s14  }
0x33: {  	s14 =	sor.u32 $0x1000, s16;
	s16 =	sadd.s32 $0x10, s15;
	v0 =	vld.msk [tilespmem:s17+$0x0 ss:$0x1], $0xffff;
	vm1 =	vgt.s32 v2, $0x0;
	(ifvalue) =	ssetifvalue $0x7FFFFFFF  }
.LBB2_3:
0x34: {  	[tilespmem:s15], [sflag:$0x1] =	stream.indirect_vreg.gather [hbm4b:s2+s10], $0x1, v1, vm0, $0x4038;
	[tilespmem:$0x2000] =	vst v63  }
0x35: {  	s18 =	sadd.s32 $0x10, s18  }
0x36: {  	v2 =	vnsel vm1, $0x0, v2;
	p1 =	slt.u32 s18, $0x7F0  }
.Ltmp3:
0x37: {  	s15 =	smov.u32 s16;
	v1 =	vmin.u32 v2, $0x1E847F;
	(pc) =	sbr.rel @p1 .LBB2_3-.Ltmp3, $3  }
0x38: {  	_ =	sdelay $0x1  }
0x39: {  	s17 =	sadd.s32 $0x10, s17  }
0x3a: {  	vm1 =	vgt.s32 v0, $0x0;
	s16 =	sadd.s32 $0x10, s16;
	v2 =	vmov v0;
	(ifvalue) =	ssetifvalue $0x7FFFFFFF;
	v0 =	vld.msk [tilespmem:s17+$0x0 ss:$0x1], $0xffff  }
.Ltmp4:
0x3b: {  	_ = 	snop;
	(pc) =	sbr.rel .LBB2_4-.Ltmp4, $1  }
0x3c: {  	_ =	sdelay $0x3  }
.LBB2_6:
0x3d: {  	_ =	sfence.sel $0x180000  }
0x3e: {  	s2 =	simm.s32 $0x2;
	[bflag:$0x0] =	sbarrier.arrive $0xFFFF  }
0x3f: {  	s30 =	simm.s32 $0x3;
	[sflag:s2] =	ssyncpa.u1 $0x1  }
0x40: {  	s31 =	simm.s32 $0x1;
	[sflag:s30] =	ssyncpa.u1 $0x1  }
0x41: {  	[sflag:s31] =	ssyncpa.u1 $0x1  }
0x42: {  	p0 =	sne.s32 s0, $0x0;
	_ =	strace $0x9000004A  }
0x43: {  	s0 =	sadd.s32 @!p0 $0x100000, s1;
	[bflag:$0x2] =	sbarrier.arrive $0xFFFF  }
0x44: {  	[sflag:s0] =	ssyncadd.tile.s32 @!p0 $0x1;
	_ =	shalt  }
.Lfunc_end2:
_tile_overlayer_lowered:
.L_overlay_start_2:
0x45: {  	(tag) =	ssettag $0x2  }
0x46: {  	s0 =	rddreg [dreg:$0x0];
	s2 =	stileid.u32  }
0x47: {  	s1 =	rddreg [dreg:$0x1];
	p0 =	sne.s32 s2, $0x0  }
0x48: {  	s3 =	rddreg [dreg:$0x2];
	[bflag:$0x3] =	sbarrier.arrive $0xFFFF;
	s2 =	simm.s32 @!p0 $0x1C01  }
0x49: {  	[timem:s3], [sflag:s2] =	dma.local @!p0 [hbm:s0], s1  }
0x4a: {  	s0 =	simm.s32 @!p0 $0x1  }
0x4b: {  	_ =	swait.ge @!p0 [sflag:s0], s1  }
0x4c: {  	s1 =	ssub.s32 @!p0 $0x0, s1;
	[sflag:s0] =	ssyncset.done @!p0 $0x0  }
0x4d: {  	[sflag:s0] =	ssyncadd.s32 @!p0 s1  }
0x4e: {  	[bflag:$0x3] =	sbarrier.arrive $0xFFFF  }
0x4f: {  	_ =	shalt  }

// kernel: gather_offload_async_start
scs
__scs_entry_jumppad:
0x0: {  	(pc) =	sbr.rel $0x88, $3  }
0x1: {  	(tag) =	ssettag $0x0;
	lr =	simm.s32 $0x1  }
0x2: {  	[smem:$0x3F9D] =	sst lr;
	_ =	strace $0xD0000000  }
0x3: {  	_ = 	snop  }
0x4: {  	_ = 	snop  }
0x5: {  	_ = 	snop  }
0x6: {  	_ = 	snop  }
0x7: {  	_ = 	snop  }
__scs_overlays_trampoline_lowered:
0x8: {  	[smem:$0x3FAC] =	sst s0  }
0x9: {  	[smem:$0x3FAD] =	sst s1  }
0xa: {  	[smem:$0x3FAE] =	sst s2  }
0xb: {  	[smem:$0x3FAF] =	sst s3  }
0xc: {  	[smem:$0x3FB0] =	sst s4  }
0xd: {  	[smem:$0x3FB1] =	sst s5  }
0xe: {  	[smem:$0x3FB2] =	sst s6  }
0xf: {  	[smem:$0x3FB3] =	sst s7  }
0x10: {  	[smem:$0x3FB4] =	sst s8  }
0x11: {  	[smem:$0x3FB5] =	sst s9;
	s0 =	simm.s32 @!p0 $0x0  }
0x12: {  	s1 =	sld [smem:$0x3F9B];
	s0 =	simm.s32 @p0 $0x1  }
0x13: {  	[smem:$0x3FB6] =	sst s0;
	s0 =	simm.s32 @!p1 $0x0  }
0x14: {  	s2 =	sld [smem:$0x3F9A];
	s0 =	simm.s32 @p1 $0x1  }
0x15: {  	[smem:$0x3FB7] =	sst s0;
	s0 =	simm.s32 @!p2 $0x0  }
0x16: {  	s3 =	sld [smem:$0x3FDB];
	s0 =	simm.s32 @p2 $0x1  }
0x17: {  	s4 =	simm.s32 $0x1BF5;
	[smem:$0x3FB9] =	sst s0  }
0x18: {  	s0 =	sld [smem:$0x3F9C];
	_ =	swait.ge [sflag:s4], $0x0  }
0x19: {  	s7 =	sld [smem:$0x3F9D]  }
0x1a: {  	s8 =	sadd.s32 $0xFFFFE003, lr  }
0x1b: {  	s9 =	sadd.s32 $0xFFFFFEF7, lr;
	s5 =	simm.s32 $0xFFFFFFFF;
	p2 =	slt.u32 s8, $0xFFFFF086  }
0x1c: {  	p1 =	slt.u32 s9, $0xF7A;
	s5 =	simm.s32 @!p2 $0x0  }
0x1d: {  	s5 =	simm.s32 @p1 $0x1;
	p0 =	seq.s32 s7, s2  }
0x1e: {  	s7 =	smul.u32 @!p0 $0xF7A, s2;
	p2 =	seq.s32 @!p0 s5, $0x0  }
0x1f: {  	s9 =	smul.u32 $0xF7A, s1;
	s8 =	simm.s32 @!p0 $0x1BF5;
	p2 =	por !p2, p0  }
0x20: {  	[sflag:s8] =	ssyncset.s32 @!p0 $0xFFFFF086;
	s6 =	sadd.s32 @!p0 s3, s7;
	s7 =	simm.s32 @!p0 $0x108  }
0x21: {  	s3 =	sadd.s32 s3, s9;
	s6 =	sadd.s32 @!p0 $0x88, s6;
	s7 =	simm.s32 @p2 $0x1082  }
0x22: {  	[simem:s7], [sflag:s8] =	dma.local @!p0 [hbm:s6], $0xF7A  }
0x23: {  	s9 =	sor.u32 $0xD0000000, s2;
	s6 =	simm.s32 $0x108;
	_ =	swait.ge @!p0 [sflag:s8], $0x0  }
0x24: {  	s3 =	sadd.s32 $0x88, s3;
	s6 =	simm.s32 @!p1 $0x1082;
	[sflag:s4] =	ssyncset.s32 $0xFFFFF086  }
0x25: {  	[simem:s6], [sflag:s4] =	dma.local [hbm:s3], $0xF7A  }
0x26: {  	[smem:$0x3F9D] =	sst s1;
	(tag) =	ssettag s2;
	_ =	strace s9  }
0x27: {  	s1 =	sld [smem:$0x3FAD]  }
0x28: {  	s2 =	sld [smem:$0x3FAE]  }
0x29: {  	s4 =	sld [smem:$0x3FB0]  }
0x2a: {  	p0 =	seq.s32 s5, $0x0;
	s5 =	sld [smem:$0x3FB1]  }
0x2b: {  	s6 =	sld [smem:$0x3FB2]  }
0x2c: {  	s7 =	sld [smem:$0x3FB3]  }
0x2d: {  	s3 =	simm.s32 $0x108;
	s8 =	sld [smem:$0x3FB4]  }
0x2e: {  	s3 =	simm.s32 @!p0 $0x1082;
	s9 =	sld [smem:$0x3FB5]  }
0x2f: {  	lr =	sadd.s32 s0, s3;
	s0 =	sld [smem:$0x3FAC]  }
0x30: {  	s3 =	sld [smem:$0x3FAF]  }
0x31: {  	[smem:$0x3FB8] =	sst s10  }
0x32: {  	s10 =	sld [smem:$0x3FB6];
	_ =	sdelay $0x3  }
0x33: {  	p0 =	seq.s32 s10, $0x1;
	s10 =	sld [smem:$0x3FB8];
	_ =	sdelay $0x3  }
0x34: {  	[smem:$0x3FB8] =	sst s10  }
0x35: {  	s10 =	sld [smem:$0x3FB7];
	_ =	sdelay $0x3  }
0x36: {  	p1 =	seq.s32 s10, $0x1;
	s10 =	sld [smem:$0x3FB8];
	_ =	sdelay $0x3  }
0x37: {  	[smem:$0x3FB8] =	sst s10  }
0x38: {  	s10 =	sld [smem:$0x3FB9]  }
0x39: {  	_ = 	snop;
	(pc) =	sbr.ind lr, $3  }
0x3a: {  	_ = 	snop  }
0x3b: {  	_ = 	snop  }
0x3c: {  	p2 =	seq.s32 s10, $0x1;
	s10 =	sld [smem:$0x3FB8]  }
0x3d: {  	_ =	shalt  }
0x3e: {  	_ =	shalt  }
0x3f: {  	_ =	shalt  }
0x40: {  	_ =	shalt  }
0x41: {  	_ =	shalt  }
0x42: {  	_ =	shalt  }
0x43: {  	_ =	shalt  }
0x44: {  	_ =	shalt  }
0x45: {  	_ =	shalt  }
0x46: {  	_ =	shalt  }
0x47: {  	_ =	shalt  }
0x48: {  	_ =	shalt  }
0x49: {  	_ =	shalt  }
0x4a: {  	_ =	shalt  }
0x4b: {  	_ =	shalt  }
0x4c: {  	_ =	shalt  }
0x4d: {  	_ =	shalt  }
0x4e: {  	_ =	shalt  }
0x4f: {  	_ =	shalt  }
0x50: {  	_ =	shalt  }
0x51: {  	_ =	shalt  }
0x52: {  	_ =	shalt  }
0x53: {  	_ =	shalt  }
0x54: {  	_ =	shalt  }
0x55: {  	_ =	shalt  }
0x56: {  	_ =	shalt  }
0x57: {  	_ =	shalt  }
0x58: {  	_ =	shalt  }
0x59: {  	_ =	shalt  }
0x5a: {  	_ =	shalt  }
0x5b: {  	_ =	shalt  }
0x5c: {  	_ =	shalt  }
0x5d: {  	_ =	shalt  }
0x5e: {  	_ =	shalt  }
0x5f: {  	_ =	shalt  }
0x60: {  	_ =	shalt  }
0x61: {  	_ =	shalt  }
0x62: {  	_ =	shalt  }
0x63: {  	_ =	shalt  }
0x64: {  	_ =	shalt  }
0x65: {  	_ =	shalt  }
0x66: {  	_ =	shalt  }
0x67: {  	_ =	shalt  }
0x68: {  	_ =	shalt  }
0x69: {  	_ =	shalt  }
0x6a: {  	_ =	shalt  }
0x6b: {  	_ =	shalt  }
0x6c: {  	_ =	shalt  }
0x6d: {  	_ =	shalt  }
0x6e: {  	_ =	shalt  }
0x6f: {  	_ =	shalt  }
0x70: {  	_ =	shalt  }
0x71: {  	_ =	shalt  }
0x72: {  	_ =	shalt  }
0x73: {  	_ =	shalt  }
0x74: {  	_ =	shalt  }
0x75: {  	_ =	shalt  }
0x76: {  	_ =	shalt  }
0x77: {  	_ =	shalt  }
0x78: {  	_ =	shalt  }
0x79: {  	_ =	shalt  }
0x7a: {  	_ =	shalt  }
0x7b: {  	_ =	shalt  }
0x7c: {  	_ =	shalt  }
0x7d: {  	_ =	shalt  }
0x7e: {  	_ =	shalt  }
0x7f: {  	_ =	shalt  }
0x80: {  	_ =	shalt  }
0x81: {  	_ =	shalt  }
0x82: {  	_ =	shalt  }
0x83: {  	_ =	shalt  }
0x84: {  	_ =	shalt  }
0x85: {  	_ =	shalt  }
0x86: {  	_ =	shalt  }
0x87: {  	_ =	shalt  }
.Lfunc_end0:
.L_simem_size_0:
called_computation_lowered:
.L_overlay_start_0:
0x88: {  	s2 =	sld [smem:$0x3FD9]  }
0x89: {  	s3 =	sld [smem:$0x3FFE];
	_ =	sdelay $0x1  }
0x8a: {  	s1 =	srdreg.scid  }
0x8b: {  	s0 =	sand.u32 $0x1, s1  }
0x8c: {  	s17 =	sshll.u32 s0, $0xA;
	s2 =	sadd.s32 s3, s2  }
0x8d: {  	s2 =	sadd.s32 s2, s17  }
0x8e: {  	[smem:$0x3FC4] =	sst s2  }
0x8f: {  	_ = 	snop  }
0x90: {  	s2 =	sld [smem:$0x3FC9]  }
0x91: {  	s18 =	sld [smem:$0x3FD0];
	(tm) =	ssettm $0x1  }
0x92: {  	s4 =	sld [smem:$0x3FFB];
	_ =	sdelay $0x3  }
0x93: {  	_ =	strace s4  }
0x94: {  	s4 =	sld [smem:$0x3FFC];
	_ =	sdelay $0x3  }
0x95: {  	_ =	strace s4  }
0x96: {  	s4 =	sld [smem:$0x3FFD];
	_ =	sdelay $0x3  }
0x97: {  	_ =	strace s4  }
0x98: {  	_ =	strace $0x8FFFFFFF  }
0x99: {  	s19 =	sld [smem:$0x3FDB];
	_ =	sdelay $0x1  }
0x9a: {  	s5 =	simm.s32 $_scs_section_size  }
0x9b: {  	s6 =	simm.s32 $_size__tile_overlayer_lowered;
	s7 =	simm.s32 $_tile_overlayer_lowered  }
0x9c: {  	s22 =	simm.s32 $0x1BFF;
	s21 =	sshll.u32 s7, $0x1;
	s4 =	sadd.s32 s5, s19  }
0x9d: {  	s8 =	simm.s32 $0x0;
	s20 =	sshll.u32 s6, $0x1;
	s6 =	sadd.s32 s21, s4  }
0x9e: {  	[timem:s8], [sflag:s22] =	dma.local [hbm:s6], s20  }
0x9f: {  	_ =	swait.ge [sflag:s22], s20  }
0xa0: {  	s5 =	ssub.s32 $0x0, s20;
	[sflag:s22] =	ssyncset.done $0x0  }
0xa1: {  	[sflag:s22] =	ssyncadd.s32 s5;
	_ =	sdelay $0x1  }
0xa2: {  	s23 =	simm.s32 $0x1B8B  }
0xa3: {  	_ =	swait.ge [sflag:s23], $0x1  }
0xa4: {  	[sflag:s23] =	ssyncset.done $0x0  }
0xa5: {  	s25 =	simm.s32 $0x1B8E;
	s24 =	sld [smem:$0x3FFE];
	[sflag:s23] =	ssyncadd.s32 $0xFFFFFFFF  }
0xa6: {  	s26 =	simm.s32 $execute0_lowered;
	[smem:$0x3FD2] =	sst s25  }
0xa7: {  	s6 =	sshll.u32 s26, $0x1;
	_ =	strace $0x8000004C;
	[dreg:$0x1] =	wrdreg $0xFFFFFFFF  }
0xa8: {  	s28 =	simm.s32 $_size_execute0_lowered;
	s4 =	sadd.s32 s4, s6;
	[dreg:$0x0] =	wrdreg $0x0  }
0xa9: {  	s6 =	sshll.u32 s28, $0x1;
	[dreg:$0x2] =	wrdreg s4  }
0xaa: {  	[dreg:$0x3] =	wrdreg s6  }
0xab: {  	[dreg:$0x4] =	wrdreg $0xC0  }
0xac: {  	_ =	task [dreg:s8], $0x5FFFF  }
0xad: {  	[dreg:$0x1] =	wrdreg $0xFFFFFFFF  }
0xae: {  	[dreg:$0x0] =	wrdreg $0x60  }
0xaf: {  	[dreg:$0x2] =	wrdreg s2  }
0xb0: {  	[dreg:$0x3] =	wrdreg s24  }
0xb1: {  	[dreg:$0x4] =	wrdreg s18  }
0xb2: {  	[dreg:$0x5] =	wrdreg $0x9  }
0xb3: {  	_ =	task.clear_ibuf [dreg:s8], $0x6FFFF;
	_ =	strace $0x9000004C  }
0xb4: {  	s29 =	simm.s32 $0x9;
	_ =	strace $0x8000004E  }
0xb5: {  	_ =	swait.ge [sflag:s29], $0x1  }
0xb6: {  	[sflag:s29] =	ssyncadd.s32 $0xFFFFFFFF  }
0xb7: {  	_ =	strace $0x9000004E  }
0xb8: {  	_ =	sfence  }
0xb9: {  	s30 =	sld [smem:$0x0];
	_ =	sdelay $0x2  }
0xba: {  	s31 =	sshll.u32 s1, $0xD;
	s1 =	sshrl.u32 s1, $0x2  }
0xbb: {  	s3 =	sand.u32 $0x4000, s31;
	s1 =	sadd.s32 s1, s30  }
0xbc: {  	s0 =	sor.u32 s3, s0;
	s1 =	sshll.u32 s1, $0x11  }
0xbd: {  	s0 =	sor.u32 s1, s0  }
0xbe: {  	s0 =	sadd.s32 $0x8F2B, s0  }
0xbf: {  	[sflag:s0] =	ssyncadd.remote.s32 $0x1  }
0xc0: {  	_ =	sfence.sel $0xFFFF  }
0xc1: {  	[dreg:$0x0] =	wrdreg $0xFFFFFFFF;
	(pc) =	sbr.abs _section_cstart, $3  }
0xc2: {  	[dreg:$0x1] =	wrdreg $0xFFFFFFFF  }
0xc3: {  	_ =	task.clear_ibuf [dreg:s8], $0x2FFFF;
	_ =	strace $0x9FFFFFFF  }
0xc4: {  	(tm) =	ssettm $0x7FFFFFFF  }
0xc5: {  	_ =	shalt  }
tec
execute0_lowered:
.L_overlay_start_1:
0x0: {  	(tag) =	ssettag $0x1  }
0x1: {  	s2 =	rddreg [dreg:$0x0]  }
0x2: {  	s7 =	rddreg [dreg:$0x1];
	s0 =	srdreg.scid  }
0x3: {  	s3 =	rddreg [dreg:$0x2];
	s1 =	stileid.u32;
	s6 =	simm.s32 $0x2  }
0x4: {  	s11 =	simm.s32 $0x3;
	s12 =	simm.s32 $0x0;
	s4 =	sshll.u32 s0, $0xC  }
0x5: {  	s0 =	rddreg [dreg:$0x3];
	s5 =	sshll.u32 s1, $0xD;
	s4 =	sand.u32 $0x1000, s4  }
0x6: {  	_ =	strace $0x8000004D;
	s4 =	sor.u32 s5, s4;
	s5 =	simm.s32 $0x1  }
0x7: {  	s8 =	sshrl.u32 s4, $0x3;
	s9 =	ssub.s32 $0x20000, s4;
	[sflag:s5] =	ssyncpa.u1 $0x0  }
.Ltmp0:
0x8: {  	s10 =	sand.u32 $0x1F000, s9;
	[sflag:s6] =	ssyncpa.u1 $0x0;
	(pc) =	sbr.rel .LBB2_1-.Ltmp0, $4  }
0x9: {  	s9 =	sshrl.u32 s9, $0x11;
	p0 =	sne.s32 s10, $0x0;
	s10 =	simm.s32 $0x1  }
0xa: {  	s8 =	sadd.s32 s8, s7;
	[sflag:s11] =	ssyncpa.u1 $0x0;
	s10 =	simm.s32 @!p0 $0x0  }
0xb: {  	s8 =	sadd.s32 $0x200000, s8;
	s11 =	simm.s32 $0x0;
	s7 =	sadd.s32 s10, s9  }
0xc: {  	vm0 =	vmmov $0xffff;
	p0 =	por $0x0, $0x0;
	s10 =	simm.s32 $0x0;
	s9 =	sadd.s32 $0x1, s7  }
.LBB2_4:
0xd: {  	_ =	sdelay $0x3  }
0xe: {  	[tilespmem:s20], [sflag:$0x1] =	stream.indirect_vreg.gather [hbm4b:s2+s10], $0x1, v0, vm0, $0x4038;
	[tilespmem:$0xA000] =	vst v63  }
0xf: {  	s14 =	sadd.s32 s17, s14  }
0x10: {  	v0 =	vld.msk [tilespmem:s14+$0x0 ss:$0x1], $0xffff;
	_ =	sdelay $0x4  }
0x11: {  	vm1 =	vgt.s32 v0, $0x0  }
0x12: {  	v0 =	vnsel vm1, $0x0, v0  }
0x13: {  	v0 =	vmin.u32 v0, $0x1E847F  }
0x14: {  	v1 =	vshll.u32 v0, $0x2  }
0x15: {  	v0 =	vand.u32 $0x7F, v0;
	v1 =	vand.u32 $0x7FFE00, v1  }
0x16: {  	v0 =	vor.u32 v0, v1;
	_ =	sdelay $0x1  }
0x17: {  	s28 =	sand.u32 $0x3E00, s16  }
0x18: {  	s15 =	sand.u32 $0x70, s15;
	(ifvalue) =	ssetifvalue $0x7FFFFFFF;
	s14 =	sadd.s32 s28, s13;
	v1 =	vor.u32 $0x80, v0  }
0x19: {  	s14 =	sadd.s32 s15, s14;
	(ifvalue) =	ssetifvalue $0x7FFFFFFF  }
0x1a: {  	[tilespmem:s14], [sflag:$0x1] =	stream.indirect_vreg.gather [hbm4b:s2+s10], $0x1, v0, vm0, $0x4038;
	[tilespmem:$0xA000] =	vst v63  }
0x1b: {  	v2 =	vor.u32 $0x100, v0;
	(ifvalue) =	ssetifvalue $0x7FFFFFFF  }
0x1c: {  	s15 =	sadd.s32 $0x80, s14;
	(ifvalue) =	ssetifvalue $0x7FFFFFFF  }
0x1d: {  	[tilespmem:s15], [sflag:$0x1] =	stream.indirect_vreg.gather [hbm4b:s2+s10], $0x1, v1, vm0, $0x4038;
	[tilespmem:$0xA000] =	vst v63  }
0x1e: {  	v0 =	vor.u32 $0x180, v0;
	(ifvalue) =	ssetifvalue $0x7FFFFFFF  }
0x1f: {  	s29 =	sadd.s32 $0x100, s14;
	(ifvalue) =	ssetifvalue $0x7FFFFFFF  }
0x20: {  	[tilespmem:s29], [sflag:$0x1] =	stream.indirect_vreg.gather [hbm4b:s2+s10], $0x1, v2, vm0, $0x4038;
	[tilespmem:$0xA000] =	vst v63  }
0x21: {  	(ifvalue) =	ssetifvalue $0x7FFFFFFF  }
0x22: {  	s30 =	sshll.u32 s12, $0x2;
	s14 =	sadd.s32 $0x180, s14;
	(ifvalue) =	ssetifvalue $0x7FFFFFFF  }
0x23: {  	[tilespmem:s14], [sflag:$0x1] =	stream.indirect_vreg.gather [hbm4b:s2+s10], $0x1, v0, vm0, $0x4038;
	[tilespmem:$0xA000] =	vst v63  }
0x24: {  	s31 =	sand.u32 $0x78, s12;
	s14 =	sand.u32 $0x7FFFFE00, s30  }
0x25: {  	_ =	swait.ge [sflag:s5], $0x4000;
	s12 =	sor.u32 s31, s14  }
0x26: {  	[sflag:s5] =	ssyncset.done $0x0;
	s12 =	sshrl.u32 s12, $0x3  }
0x27: {  	[sflag:s5] =	ssyncadd.s32 $0xFFFFC000;
	s12 =	sadd.s32 s3, s12  }
0x28: {  	[hbm:s12] =	stream.linear.scatter [tilespmem:s13], [sflag:$0x3], $0x4000, $0x38;
	[tilespmem:$0xA000] =	vst v63  }
.LBB2_5:
0x29: {  	p2 =	sne.s32 s11, s9  }
.Ltmp1:
0x2a: {  	p1 =	slt.u32 s11, $0x2;
	(pc) =	sbr.rel @!p2 .LBB2_6-.Ltmp1, $4  }
0x2b: {  	s12 =	simm.s32 @!p1 $0x3  }
0x2c: {  	_ =	swait.ge @!p1 [sflag:s12], $0x4000  }
0x2d: {  	s13 =	sadd.s32 $0x1, s11;
	p0 =	por !p0, !p0;
	[sflag:s12] =	ssyncset.done @!p1 $0x0  }
0x2e: {  	s11 =	smov.u32 s13;
	[sflag:s12] =	ssyncadd.s32 @!p1 $0xFFFFC000;
	s12 =	smov.u32 s4  }
.LBB2_1:
0x2f: {  	p1 =	sge.u32 s11, s7  }
0x30: {  	s13 =	sxor.u32 @!p1 $0xFFFFFFFF, s11  }
0x31: {  	s13 =	sshll.u32 @!p1 s13, $0xC  }
0x32: {  	s31 =	sadd.s32 $0xFFFFFFFF, s11;
	s14 =	simm.s32 @!p1 $0x0;
	s13 =	sand.u32 @!p1 $0x1000, s13  }
0x33: {  	[tilespmem:s13], [sflag:$0x2] =	stream.linear.gather @!p1 [hbm4b:s8+s14], $0x1000, $0x38;
	[tilespmem:$0xA000] =	vst v63  }
0x34: {  	p1 =	sge.u32 s31, s7  }
.Ltmp2:
0x35: {  	_ = 	snop;
	(pc) =	sbr.rel @p1 .LBB2_5-.Ltmp2, $1  }
0x36: {  	_ =	sdelay $0x3  }
0x37: {  	s13 =	simm.s32 $0x1  }
0x38: {  	_ =	swait.ge [sflag:s6], $0x1000;
	s13 =	simm.s32 @!p0 $0x0  }
0x39: {  	[sflag:s6] =	ssyncset.done $0x0;
	s14 =	sshll.u32 s13, $0xC  }
0x3a: {  	[sflag:s6] =	ssyncadd.s32 $0xFFFFF000;
	s13 =	sadd.s32 $0x0, s14  }
0x3b: {  	v0 =	vld.msk [tilespmem:s13+$0x0 ss:$0x1], $0xffff;
	_ =	sdelay $0x4  }
0x3c: {  	vm1 =	vgt.s32 v0, $0x0  }
0x3d: {  	v0 =	vnsel vm1, $0x0, v0  }
0x3e: {  	v0 =	vmin.u32 v0, $0x1E847F  }
0x3f: {  	v1 =	vshll.u32 v0, $0x2  }
0x40: {  	v0 =	vand.u32 $0x7F, v0;
	v1 =	vand.u32 $0x7FFE00, v1  }
0x41: {  	s31 =	sshll.u32 s11, $0xE;
	v0 =	vor.u32 v0, v1  }
0x42: {  	s15 =	simm.s32 $0x0;
	s13 =	sand.u32 $0x4000, s31  }
0x43: {  	s16 =	sand.u32 $0x3E00, s15;
	s13 =	sor.u32 $0x2000, s13  }
0x44: {  	s15 =	sand.u32 $0x70, s15;
	(ifvalue) =	ssetifvalue $0x7FFFFFFF;
	s16 =	sadd.s32 s16, s13;
	v1 =	vor.u32 $0x80, v0  }
0x45: {  	(ifvalue) =	ssetifvalue $0x7FFFFFFF;
	s20 =	sadd.s32 s15, s16  }
0x46: {  	[tilespmem:s20], [sflag:$0x1] =	stream.indirect_vreg.gather [hbm4b:s2+s10], $0x1, v0, vm0, $0x4038;
	[tilespmem:$0xA000] =	vst v63  }
0x47: {  	v2 =	vor.u32 $0x100, v0;
	(ifvalue) =	ssetifvalue $0x7FFFFFFF  }
0x48: {  	s15 =	sadd.s32 $0x80, s20;
	(ifvalue) =	ssetifvalue $0x7FFFFFFF  }
0x49: {  	[tilespmem:s15], [sflag:$0x1] =	stream.indirect_vreg.gather [hbm4b:s2+s10], $0x1, v1, vm0, $0x4038;
	[tilespmem:$0xA000] =	vst v63  }
0x4a: {  	s18 =	simm.s32 $0x20;
	v0 =	vor.u32 $0x180, v0;
	(ifvalue) =	ssetifvalue $0x7FFFFFFF  }
0x4b: {  	s19 =	simm.s32 $0x80;
	s17 =	sadd.s32 $0x100, s20;
	(ifvalue) =	ssetifvalue $0x7FFFFFFF  }
0x4c: {  	[tilespmem:s17], [sflag:$0x1] =	stream.indirect_vreg.gather [hbm4b:s2+s10], $0x1, v2, vm0, $0x4038;
	[tilespmem:$0xA000] =	vst v63  }
0x4d: {  	s16 =	simm.s32 $0x40;
	s20 =	sadd.s32 $0x180, s20;
	(ifvalue) =	ssetifvalue $0x7FFFFFFF  }
0x4e: {  	s15 =	simm.s32 $0x10;
	s17 =	simm.s32 $0x10;
	(ifvalue) =	ssetifvalue $0x7FFFFFFF  }
.LBB2_3:
0x4f: {  	[tilespmem:s20], [sflag:$0x1] =	stream.indirect_vreg.gather [hbm4b:s2+s10], $0x1, v0, vm0, $0x4038;
	[tilespmem:$0xA000] =	vst v63  }
0x50: {  	p1 =	sne.s32 s18, $0xFF0;
	s20 =	sadd.s32 s17, s14;
	s17 =	sshra.s32 s19, $0x2  }
0x51: {  	v0 =	vld.msk [tilespmem:s20+$0x0 ss:$0x1], $0xffff;
	s20 =	smov.u32 s18;
	s18 =	sadd.s32 $0x10, s18  }
0x52: {  	(ifvalue) =	ssetifvalue $0x7FFFFFFF;
	_ =	sdelay $0x4  }
0x53: {  	vm1 =	vgt.s32 v0, $0x0  }
0x54: {  	v0 =	vnsel vm1, $0x0, v0  }
0x55: {  	v0 =	vmin.u32 v0, $0x1E847F  }
0x56: {  	v1 =	vshll.u32 v0, $0x2  }
0x57: {  	v0 =	vand.u32 $0x7F, v0;
	v1 =	vand.u32 $0x7FFE00, v1  }
0x58: {  	v0 =	vor.u32 v0, v1;
	_ =	sdelay $0x1  }
0x59: {  	s21 =	sand.u32 $0x3E00, s16;
	s16 =	smov.u32 s19  }
0x5a: {  	s22 =	sand.u32 $0x70, s15;
	s21 =	sadd.s32 s21, s13;
	s15 =	smov.u32 s20;
	v1 =	vor.u32 $0x80, v0  }
0x5b: {  	s20 =	sadd.s32 s22, s21;
	(ifvalue) =	ssetifvalue $0x7FFFFFFF  }
0x5c: {  	[tilespmem:s20], [sflag:$0x1] =	stream.indirect_vreg.gather [hbm4b:s2+s10], $0x1, v0, vm0, $0x4038;
	[tilespmem:$0xA000] =	vst v63  }
0x5d: {  	v2 =	vor.u32 $0x100, v0;
	(ifvalue) =	ssetifvalue $0x7FFFFFFF  }
0x5e: {  	s21 =	sadd.s32 $0x80, s20;
	(ifvalue) =	ssetifvalue $0x7FFFFFFF  }
0x5f: {  	[tilespmem:s21], [sflag:$0x1] =	stream.indirect_vreg.gather [hbm4b:s2+s10], $0x1, v1, vm0, $0x4038;
	[tilespmem:$0xA000] =	vst v63  }
.Ltmp3:
0x60: {  	v0 =	vor.u32 $0x180, v0;
	(ifvalue) =	ssetifvalue $0x7FFFFFFF;
	(pc) =	sbr.rel @p1 .LBB2_3-.Ltmp3, $4  }
0x61: {  	s21 =	sadd.s32 $0x100, s20;
	(ifvalue) =	ssetifvalue $0x7FFFFFFF  }
0x62: {  	[tilespmem:s21], [sflag:$0x1] =	stream.indirect_vreg.gather [hbm4b:s2+s10], $0x1, v2, vm0, $0x4038;
	[tilespmem:$0xA000] =	vst v63  }
0x63: {  	(ifvalue) =	ssetifvalue $0x7FFFFFFF  }
0x64: {  	s19 =	sadd.s32 $0x40, s19;
	s20 =	sadd.s32 $0x180, s20;
	(ifvalue) =	ssetifvalue $0x7FFFFFFF  }
.Ltmp4:
0x65: {  	_ = 	snop;
	(pc) =	sbr.rel .LBB2_4-.Ltmp4, $1  }
0x66: {  	_ =	sdelay $0x3  }
.LBB2_6:
0x67: {  	_ =	sfence.sel $0x180000  }
0x68: {  	s2 =	simm.s32 $0x2;
	[bflag:$0x0] =	sbarrier.arrive $0xFFFF  }
0x69: {  	s30 =	simm.s32 $0x3;
	[sflag:s2] =	ssyncpa.u1 $0x1  }
0x6a: {  	s31 =	simm.s32 $0x1;
	[sflag:s30] =	ssyncpa.u1 $0x1  }
0x6b: {  	[sflag:s31] =	ssyncpa.u1 $0x1  }
0x6c: {  	p0 =	sne.s32 s1, $0x0;
	_ =	strace $0x9000004D  }
0x6d: {  	s0 =	sadd.s32 @!p0 $0x100000, s0;
	[bflag:$0x2] =	sbarrier.arrive $0xFFFF  }
0x6e: {  	[sflag:s0] =	ssyncadd.tile.s32 @!p0 $0x1;
	_ =	shalt  }
.Lfunc_end2:
_tile_overlayer_lowered:
.L_overlay_start_2:
0x6f: {  	(tag) =	ssettag $0x2  }
0x70: {  	s0 =	rddreg [dreg:$0x0];
	s2 =	stileid.u32  }
0x71: {  	s1 =	rddreg [dreg:$0x1];
	p0 =	sne.s32 s2, $0x0  }
0x72: {  	s3 =	rddreg [dreg:$0x2];
	[bflag:$0x3] =	sbarrier.arrive $0xFFFF;
	s2 =	simm.s32 @!p0 $0x1C01  }
0x73: {  	[timem:s3], [sflag:s2] =	dma.local @!p0 [hbm:s0], s1  }
0x74: {  	s0 =	simm.s32 @!p0 $0x1  }
0x75: {  	_ =	swait.ge @!p0 [sflag:s0], s1  }
0x76: {  	s1 =	ssub.s32 @!p0 $0x0, s1;
	[sflag:s0] =	ssyncset.done @!p0 $0x0  }
0x77: {  	[sflag:s0] =	ssyncadd.s32 @!p0 s1  }
0x78: {  	[bflag:$0x3] =	sbarrier.arrive $0xFFFF  }
0x79: {  	_ =	shalt  }

// kernel: kernel.11.cloned.1.call-start
scs
__scs_entry_jumppad:
0x0: {  	(pc) =	sbr.rel $0x88, $3  }
0x1: {  	(tag) =	ssettag $0x0;
	lr =	simm.s32 $0x1  }
0x2: {  	[smem:$0x3F9D] =	sst lr;
	_ =	strace $0xD0000000  }
0x3: {  	_ = 	snop  }
0x4: {  	_ = 	snop  }
0x5: {  	_ = 	snop  }
0x6: {  	_ = 	snop  }
0x7: {  	_ = 	snop  }
__scs_overlays_trampoline_lowered:
0x8: {  	[smem:$0x3FAC] =	sst s0  }
0x9: {  	[smem:$0x3FAD] =	sst s1  }
0xa: {  	[smem:$0x3FAE] =	sst s2  }
0xb: {  	[smem:$0x3FAF] =	sst s3  }
0xc: {  	[smem:$0x3FB0] =	sst s4  }
0xd: {  	[smem:$0x3FB1] =	sst s5  }
0xe: {  	[smem:$0x3FB2] =	sst s6  }
0xf: {  	[smem:$0x3FB3] =	sst s7  }
0x10: {  	[smem:$0x3FB4] =	sst s8  }
0x11: {  	[smem:$0x3FB5] =	sst s9;
	s0 =	simm.s32 @!p0 $0x0  }
0x12: {  	s1 =	sld [smem:$0x3F9B];
	s0 =	simm.s32 @p0 $0x1  }
0x13: {  	[smem:$0x3FB6] =	sst s0;
	s0 =	simm.s32 @!p1 $0x0  }
0x14: {  	s2 =	sld [smem:$0x3F9A];
	s0 =	simm.s32 @p1 $0x1  }
0x15: {  	[smem:$0x3FB7] =	sst s0;
	s0 =	simm.s32 @!p2 $0x0  }
0x16: {  	s3 =	sld [smem:$0x3FDB];
	s0 =	simm.s32 @p2 $0x1  }
0x17: {  	s4 =	simm.s32 $0x1BF5;
	[smem:$0x3FB9] =	sst s0  }
0x18: {  	s0 =	sld [smem:$0x3F9C];
	_ =	swait.ge [sflag:s4], $0x0  }
0x19: {  	s7 =	sld [smem:$0x3F9D]  }
0x1a: {  	s8 =	sadd.s32 $0xFFFFE003, lr  }
0x1b: {  	s9 =	sadd.s32 $0xFFFFFEF7, lr;
	s5 =	simm.s32 $0xFFFFFFFF;
	p2 =	slt.u32 s8, $0xFFFFF086  }
0x1c: {  	p1 =	slt.u32 s9, $0xF7A;
	s5 =	simm.s32 @!p2 $0x0  }
0x1d: {  	s5 =	simm.s32 @p1 $0x1;
	p0 =	seq.s32 s7, s2  }
0x1e: {  	s7 =	smul.u32 @!p0 $0xF7A, s2;
	p2 =	seq.s32 @!p0 s5, $0x0  }
0x1f: {  	s9 =	smul.u32 $0xF7A, s1;
	s8 =	simm.s32 @!p0 $0x1BF5;
	p2 =	por !p2, p0  }
0x20: {  	[sflag:s8] =	ssyncset.s32 @!p0 $0xFFFFF086;
	s6 =	sadd.s32 @!p0 s3, s7;
	s7 =	simm.s32 @!p0 $0x108  }
0x21: {  	s3 =	sadd.s32 s3, s9;
	s6 =	sadd.s32 @!p0 $0x88, s6;
	s7 =	simm.s32 @p2 $0x1082  }
0x22: {  	[simem:s7], [sflag:s8] =	dma.local @!p0 [hbm:s6], $0xF7A  }
0x23: {  	s9 =	sor.u32 $0xD0000000, s2;
	s6 =	simm.s32 $0x108;
	_ =	swait.ge @!p0 [sflag:s8], $0x0  }
0x24: {  	s3 =	sadd.s32 $0x88, s3;
	s6 =	simm.s32 @!p1 $0x1082;
	[sflag:s4] =	ssyncset.s32 $0xFFFFF086  }
0x25: {  	[simem:s6], [sflag:s4] =	dma.local [hbm:s3], $0xF7A  }
0x26: {  	[smem:$0x3F9D] =	sst s1;
	(tag) =	ssettag s2;
	_ =	strace s9  }
0x27: {  	s1 =	sld [smem:$0x3FAD]  }
0x28: {  	s2 =	sld [smem:$0x3FAE]  }
0x29: {  	s4 =	sld [smem:$0x3FB0]  }
0x2a: {  	p0 =	seq.s32 s5, $0x0;
	s5 =	sld [smem:$0x3FB1]  }
0x2b: {  	s6 =	sld [smem:$0x3FB2]  }
0x2c: {  	s7 =	sld [smem:$0x3FB3]  }
0x2d: {  	s3 =	simm.s32 $0x108;
	s8 =	sld [smem:$0x3FB4]  }
0x2e: {  	s3 =	simm.s32 @!p0 $0x1082;
	s9 =	sld [smem:$0x3FB5]  }
0x2f: {  	lr =	sadd.s32 s0, s3;
	s0 =	sld [smem:$0x3FAC]  }
0x30: {  	s3 =	sld [smem:$0x3FAF]  }
0x31: {  	[smem:$0x3FB8] =	sst s10  }
0x32: {  	s10 =	sld [smem:$0x3FB6];
	_ =	sdelay $0x3  }
0x33: {  	p0 =	seq.s32 s10, $0x1;
	s10 =	sld [smem:$0x3FB8];
	_ =	sdelay $0x3  }
0x34: {  	[smem:$0x3FB8] =	sst s10  }
0x35: {  	s10 =	sld [smem:$0x3FB7];
	_ =	sdelay $0x3  }
0x36: {  	p1 =	seq.s32 s10, $0x1;
	s10 =	sld [smem:$0x3FB8];
	_ =	sdelay $0x3  }
0x37: {  	[smem:$0x3FB8] =	sst s10  }
0x38: {  	s10 =	sld [smem:$0x3FB9]  }
0x39: {  	_ = 	snop;
	(pc) =	sbr.ind lr, $3  }
0x3a: {  	_ = 	snop  }
0x3b: {  	_ = 	snop  }
0x3c: {  	p2 =	seq.s32 s10, $0x1;
	s10 =	sld [smem:$0x3FB8]  }
0x3d: {  	_ =	shalt  }
0x3e: {  	_ =	shalt  }
0x3f: {  	_ =	shalt  }
0x40: {  	_ =	shalt  }
0x41: {  	_ =	shalt  }
0x42: {  	_ =	shalt  }
0x43: {  	_ =	shalt  }
0x44: {  	_ =	shalt  }
0x45: {  	_ =	shalt  }
0x46: {  	_ =	shalt  }
0x47: {  	_ =	shalt  }
0x48: {  	_ =	shalt  }
0x49: {  	_ =	shalt  }
0x4a: {  	_ =	shalt  }
0x4b: {  	_ =	shalt  }
0x4c: {  	_ =	shalt  }
0x4d: {  	_ =	shalt  }
0x4e: {  	_ =	shalt  }
0x4f: {  	_ =	shalt  }
0x50: {  	_ =	shalt  }
0x51: {  	_ =	shalt  }
0x52: {  	_ =	shalt  }
0x53: {  	_ =	shalt  }
0x54: {  	_ =	shalt  }
0x55: {  	_ =	shalt  }
0x56: {  	_ =	shalt  }
0x57: {  	_ =	shalt  }
0x58: {  	_ =	shalt  }
0x59: {  	_ =	shalt  }
0x5a: {  	_ =	shalt  }
0x5b: {  	_ =	shalt  }
0x5c: {  	_ =	shalt  }
0x5d: {  	_ =	shalt  }
0x5e: {  	_ =	shalt  }
0x5f: {  	_ =	shalt  }
0x60: {  	_ =	shalt  }
0x61: {  	_ =	shalt  }
0x62: {  	_ =	shalt  }
0x63: {  	_ =	shalt  }
0x64: {  	_ =	shalt  }
0x65: {  	_ =	shalt  }
0x66: {  	_ =	shalt  }
0x67: {  	_ =	shalt  }
0x68: {  	_ =	shalt  }
0x69: {  	_ =	shalt  }
0x6a: {  	_ =	shalt  }
0x6b: {  	_ =	shalt  }
0x6c: {  	_ =	shalt  }
0x6d: {  	_ =	shalt  }
0x6e: {  	_ =	shalt  }
0x6f: {  	_ =	shalt  }
0x70: {  	_ =	shalt  }
0x71: {  	_ =	shalt  }
0x72: {  	_ =	shalt  }
0x73: {  	_ =	shalt  }
0x74: {  	_ =	shalt  }
0x75: {  	_ =	shalt  }
0x76: {  	_ =	shalt  }
0x77: {  	_ =	shalt  }
0x78: {  	_ =	shalt  }
0x79: {  	_ =	shalt  }
0x7a: {  	_ =	shalt  }
0x7b: {  	_ =	shalt  }
0x7c: {  	_ =	shalt  }
0x7d: {  	_ =	shalt  }
0x7e: {  	_ =	shalt  }
0x7f: {  	_ =	shalt  }
0x80: {  	_ =	shalt  }
0x81: {  	_ =	shalt  }
0x82: {  	_ =	shalt  }
0x83: {  	_ =	shalt  }
0x84: {  	_ =	shalt  }
0x85: {  	_ =	shalt  }
0x86: {  	_ =	shalt  }
0x87: {  	_ =	shalt  }
.Lfunc_end0:
.L_simem_size_0:
called_computation.2_lowered:
.L_overlay_start_0:
0x88: {  	s2 =	sld [smem:$0x3FD9]  }
0x89: {  	s3 =	sld [smem:$0x3FFE];
	_ =	sdelay $0x1  }
0x8a: {  	s1 =	srdreg.scid  }
0x8b: {  	s0 =	sand.u32 $0x1, s1  }
0x8c: {  	s17 =	sshll.u32 s0, $0xA;
	s2 =	sadd.s32 s3, s2  }
0x8d: {  	s2 =	sadd.s32 s2, s17  }
0x8e: {  	[smem:$0x3FC4] =	sst s2  }
0x8f: {  	_ = 	snop  }
0x90: {  	s2 =	sld [smem:$0x3FD0];
	(tm) =	ssettm $0x1  }
0x91: {  	s18 =	sld [smem:$0x3FFB];
	_ =	sdelay $0x3  }
0x92: {  	_ =	strace s18  }
0x93: {  	s3 =	sld [smem:$0x3FFC];
	_ =	sdelay $0x3  }
0x94: {  	_ =	strace s3  }
0x95: {  	s3 =	sld [smem:$0x3FFD];
	_ =	sdelay $0x3  }
0x96: {  	_ =	strace s3  }
0x97: {  	_ =	strace $0x8FFFFFFF  }
0x98: {  	s19 =	sld [smem:$0x3FDB];
	_ =	sdelay $0x1  }
0x99: {  	s4 =	simm.s32 $_scs_section_size  }
0x9a: {  	s5 =	simm.s32 $_size__tile_overlayer_lowered;
	s6 =	simm.s32 $_tile_overlayer_lowered  }
0x9b: {  	s22 =	simm.s32 $0x1BFF;
	s21 =	sshll.u32 s6, $0x1;
	s3 =	sadd.s32 s4, s19  }
0x9c: {  	s7 =	simm.s32 $0x0;
	s20 =	sshll.u32 s5, $0x1;
	s5 =	sadd.s32 s21, s3  }
0x9d: {  	[timem:s7], [sflag:s22] =	dma.local [hbm:s5], s20  }
0x9e: {  	_ =	swait.ge [sflag:s22], s20  }
0x9f: {  	s4 =	ssub.s32 $0x0, s20;
	[sflag:s22] =	ssyncset.done $0x0  }
0xa0: {  	[sflag:s22] =	ssyncadd.s32 s4;
	_ =	sdelay $0x1  }
0xa1: {  	s23 =	simm.s32 $0x1B8B  }
0xa2: {  	_ =	swait.ge [sflag:s23], $0x1  }
0xa3: {  	[sflag:s23] =	ssyncset.done $0x0  }
0xa4: {  	s25 =	simm.s32 $0x1B8E;
	s24 =	sld [smem:$0x3FFE];
	[sflag:s23] =	ssyncadd.s32 $0xFFFFFFFF  }
0xa5: {  	s26 =	simm.s32 $execute0_lowered;
	[smem:$0x3FD2] =	sst s25  }
0xa6: {  	s5 =	sshll.u32 s26, $0x1;
	_ =	strace $0x80000046;
	[dreg:$0x1] =	wrdreg $0xFFFFFFFF  }
0xa7: {  	s28 =	simm.s32 $_size_execute0_lowered;
	s3 =	sadd.s32 s3, s5;
	[dreg:$0x0] =	wrdreg $0x0  }
0xa8: {  	s5 =	sshll.u32 s28, $0x1;
	[dreg:$0x2] =	wrdreg s3  }
0xa9: {  	[dreg:$0x3] =	wrdreg s5  }
0xaa: {  	[dreg:$0x4] =	wrdreg $0xC0  }
0xab: {  	_ =	task [dreg:s7], $0x5FFFF  }
0xac: {  	[dreg:$0x1] =	wrdreg $0xFFFFFFFF  }
0xad: {  	[dreg:$0x0] =	wrdreg $0x60  }
0xae: {  	[dreg:$0x2] =	wrdreg s24  }
0xaf: {  	[dreg:$0x3] =	wrdreg s2  }
0xb0: {  	[dreg:$0x4] =	wrdreg $0x9  }
0xb1: {  	_ =	task.clear_ibuf [dreg:s7], $0x5FFFF;
	_ =	strace $0x90000046  }
0xb2: {  	s29 =	simm.s32 $0x9;
	_ =	strace $0x80000048  }
0xb3: {  	_ =	swait.ge [sflag:s29], $0x1  }
0xb4: {  	[sflag:s29] =	ssyncadd.s32 $0xFFFFFFFF  }
0xb5: {  	_ =	strace $0x90000048  }
0xb6: {  	_ =	sfence  }
0xb7: {  	s30 =	sld [smem:$0x0];
	_ =	sdelay $0x2  }
0xb8: {  	s31 =	sshll.u32 s1, $0xD;
	s1 =	sshrl.u32 s1, $0x2  }
0xb9: {  	s3 =	sand.u32 $0x4000, s31;
	s1 =	sadd.s32 s1, s30  }
0xba: {  	s0 =	sor.u32 s3, s0;
	s1 =	sshll.u32 s1, $0x11  }
0xbb: {  	s0 =	sor.u32 s1, s0  }
0xbc: {  	s0 =	sadd.s32 $0x8F2B, s0  }
0xbd: {  	[sflag:s0] =	ssyncadd.remote.s32 $0x1  }
0xbe: {  	_ =	sfence.sel $0xFFFF  }
0xbf: {  	[dreg:$0x0] =	wrdreg $0xFFFFFFFF;
	(pc) =	sbr.abs _section_cstart, $3  }
0xc0: {  	[dreg:$0x1] =	wrdreg $0xFFFFFFFF  }
0xc1: {  	_ =	task.clear_ibuf [dreg:s7], $0x2FFFF;
	_ =	strace $0x9FFFFFFF  }
0xc2: {  	(tm) =	ssettm $0x7FFFFFFF  }
0xc3: {  	_ =	shalt  }
tec
execute0_lowered:
.L_overlay_start_1:
0x0: {  	(tag) =	ssettag $0x1  }
0x1: {  	s2 =	rddreg [dreg:$0x0]  }
0x2: {  	s6 =	rddreg [dreg:$0x1]  }
0x3: {  	s0 =	rddreg [dreg:$0x2]  }
0x4: {  	s3 =	simm.s32 $0x0;
	s1 =	stileid.u32;
	s4 =	srdreg.scid  }
0x5: {  	[smem:$0x7FF] =	sst s3;
	s5 =	sshll.u32 s1, $0x11;
	s4 =	sand.u32 $0x1, s4  }
0x6: {  	s9 =	sshll.u32 s1, $0xD;
	_ =	strace $0x80000047;
	s5 =	sadd.s32 s5, s2  }
0x7: {  	s7 =	ssub.s32 $0x2, s4;
	s10 =	sshll.u32 s4, $0xC;
	s30 =	sshll.u32 s4, $0x10  }
0x8: {  	s8 =	sshrl.u32 s7, $0x1;
	s9 =	sor.u32 s10, s9;
	s5 =	sadd.s32 s30, s5  }
0x9: {  	s10 =	simm.s32 $0x0;
	s7 =	ssub.s32 s7, s8;
	s31 =	sshrl.u32 s9, $0x3  }
0xa: {  	s5 =	sadd.s32 $0x43D800, s5;
	s8 =	simm.s32 $0x80;
	s9 =	simm.s32 $0x1  }
0xb: {  	s4 =	smax.u32 s7, $0x1;
	s6 =	sadd.s32 s31, s6;
	s7 =	simm.s32 $0x2  }
.LBB2_1:
0xc: {  	s11 =	sadd.s32 $0x0, s6  }
0xd: {  	[tilespmem:s3], [sflag:$0x2] =	stream.linear.gather [hbm4b:s11+s3], $0x80, $0x38;
	[tilespmem:$0x4080] =	vst v63  }
0xe: {  	_ =	swait.ge [sflag:s7], $0x80  }
0xf: {  	[sflag:s7] =	ssyncset.done $0x0  }
0x10: {  	[sflag:s7] =	ssyncadd.s32 $0xFFFFFF80  }
0x11: {  	[tilespmem:s8], [sflag:$0x1] =	stream.indirect.gather [hbm4b:s2+s8], $0x80, s3, s8, $0xb8;
	[tilespmem:$0x4080] =	vst v63  }
0x12: {  	_ =	swait.ge [sflag:s9], $0x4000  }
0x13: {  	[sflag:s9] =	ssyncset.done $0x0  }
0x14: {  	[sflag:s9] =	ssyncadd.s32 $0xFFFFC000  }
0x15: {  	[hbm4b:s5+s3] =	stream.linear.scatter [tilespmem:s8], [sflag:$0x2], $0x4000, $0x38;
	[tilespmem:$0x4080] =	vst v63  }
0x16: {  	s12 =	simm.s32 $0x10;
	_ =	swait.ge [sflag:s7], $0x4000  }
0x17: {  	s13 =	simm.s32 $0x20;
	s11 =	sadd.s32 $0x800, s5;
	[sflag:s7] =	ssyncset.done $0x0  }
.LBB2_2:
0x18: {  	s14 =	sadd.s32 s12, s6  }
0x19: {  	[sflag:s7] =	ssyncadd.s32 $0xFFFFC000;
	s12 =	smov.u32 s13;
	s15 =	sadd.s32 $0x10, s13  }
0x1a: {  	[tilespmem:s3], [sflag:$0x2] =	stream.linear.gather [hbm4b:s14+s3], $0x80, $0x38;
	[tilespmem:$0x4080] =	vst v63  }
0x1b: {  	p0 =	sne.s32 s13, $0x1F0;
	_ =	swait.ge [sflag:s7], $0x80  }
0x1c: {  	[sflag:s7] =	ssyncset.done $0x0  }
0x1d: {  	[sflag:s7] =	ssyncadd.s32 $0xFFFFFF80  }
0x1e: {  	[tilespmem:s8], [sflag:$0x1] =	stream.indirect.gather [hbm4b:s2+s8], $0x80, s3, s8, $0xb8;
	[tilespmem:$0x4080] =	vst v63  }
0x1f: {  	_ =	swait.ge [sflag:s9], $0x4000  }
.Ltmp0:
0x20: {  	[sflag:s9] =	ssyncset.done $0x0;
	(pc) =	sbr.rel @p0 .LBB2_2-.Ltmp0, $4  }
0x21: {  	[sflag:s9] =	ssyncadd.s32 $0xFFFFC000  }
0x22: {  	[hbm4b:s11+s3] =	stream.linear.scatter [tilespmem:s8], [sflag:$0x2], $0x4000, $0x38;
	[tilespmem:$0x4080] =	vst v63  }
0x23: {  	_ =	swait.ge [sflag:s7], $0x4000  }
0x24: {  	s13 =	smov.u32 s15;
	s11 =	sadd.s32 $0x800, s11;
	[sflag:s7] =	ssyncset.done $0x0  }
0x25: {  	s12 =	sadd.s32 s12, s6;
	[sflag:s7] =	ssyncadd.s32 $0xFFFFC000  }
0x26: {  	[tilespmem:s3], [sflag:$0x2] =	stream.linear.gather [hbm4b:s12+s3], $0x80, $0x38;
	[tilespmem:$0x4080] =	vst v63  }
0x27: {  	_ =	swait.ge [sflag:s7], $0x80  }
0x28: {  	[sflag:s7] =	ssyncset.done $0x0  }
0x29: {  	[sflag:s7] =	ssyncadd.s32 $0xFFFFFF80  }
0x2a: {  	[tilespmem:s8], [sflag:$0x1] =	stream.indirect.gather [hbm4b:s2+s8], $0x80, s3, s8, $0xb8;
	[tilespmem:$0x4080] =	vst v63  }
0x2b: {  	s10 =	sadd.s32 $0x1, s10;
	_ =	swait.ge [sflag:s9], $0x4000  }
0x2c: {  	p0 =	sne.s32 s10, s4;
	[sflag:s9] =	ssyncset.done $0x0  }
.Ltmp1:
0x2d: {  	[sflag:s9] =	ssyncadd.s32 $0xFFFFC000;
	(pc) =	sbr.rel @p0 .LBB2_1-.Ltmp1, $4  }
0x2e: {  	[hbm4b:s11+s3] =	stream.linear.scatter [tilespmem:s8], [sflag:$0x2], $0x4000, $0x38;
	[tilespmem:$0x4080] =	vst v63  }
0x2f: {  	_ =	swait.ge [sflag:s7], $0x4000  }
0x30: {  	[sflag:s7] =	ssyncset.done $0x0  }
0x31: {  	[sflag:s7] =	ssyncadd.s32 $0xFFFFC000  }
0x32: {  	_ =	sfence.sel $0x180000  }
0x33: {  	[bflag:$0x0] =	sbarrier.arrive $0xFFFF  }
0x34: {  	p0 =	sne.s32 s1, $0x0;
	_ =	strace $0x90000047  }
0x35: {  	s0 =	sadd.s32 @!p0 $0x100000, s0;
	[bflag:$0x2] =	sbarrier.arrive $0xFFFF  }
0x36: {  	[sflag:s0] =	ssyncadd.tile.s32 @!p0 $0x1;
	_ =	shalt  }
.Lfunc_end2:
_tile_overlayer_lowered:
.L_overlay_start_2:
0x37: {  	(tag) =	ssettag $0x2  }
0x38: {  	s0 =	rddreg [dreg:$0x0];
	s2 =	stileid.u32  }
0x39: {  	s1 =	rddreg [dreg:$0x1];
	p0 =	sne.s32 s2, $0x0  }
0x3a: {  	s3 =	rddreg [dreg:$0x2];
	[bflag:$0x3] =	sbarrier.arrive $0xFFFF;
	s2 =	simm.s32 @!p0 $0x1C02  }
0x3b: {  	[timem:s3], [sflag:s2] =	dma.local @!p0 [hbm:s0], s1  }
0x3c: {  	s0 =	simm.s32 @!p0 $0x2  }
0x3d: {  	_ =	swait.ge @!p0 [sflag:s0], s1  }
0x3e: {  	s1 =	ssub.s32 @!p0 $0x0, s1;
	[sflag:s0] =	ssyncset.done @!p0 $0x0  }
0x3f: {  	[sflag:s0] =	ssyncadd.s32 @!p0 s1  }
0x40: {  	[bflag:$0x3] =	sbarrier.arrive $0xFFFF  }
0x41: {  	_ =	shalt  }

</sc_bundles>
